<compile_context>
chip_gen: v7x
topology: tpu7x:2x2x1
jax: 0.10.2.dev20260603
libtpu: 0.0.44.dev20260713+nightly
codegen_flags: <defaults>
</compile_context>

<pallas_src>
import functools

import jax
import jax.numpy as jnp
from jax import lax
from jax.experimental import pallas as pl
from jax.experimental.pallas import tpu as pltpu
from jax.experimental.pallas import tpu_sc as plsc

_VOCAB = 1000000
_EMBED = 64
_BATCH = 16384

_MM_BLK = 2048


@functools.lru_cache(maxsize=None)
def _build_gather():
    info = plsc.get_sparse_core_info()
    nw = info.num_cores * info.num_subcores
    bpw = _BATCH // nw
    nl = info.num_lanes

    mesh = plsc.VectorSubcoreMesh(core_axis_name="c", subcore_axis_name="s")

    ne = _EMBED // 2

    @functools.partial(
        pl.kernel,
        mesh=mesh,
        out_type=jax.ShapeDtypeStruct((_BATCH * ne,), jnp.float32),
        scratch_types=[
            pltpu.VMEM((bpw,), jnp.int32),
            pltpu.VMEM((bpw * ne,), jnp.int32),
            pltpu.VMEM((bpw * ne,), jnp.float32),
            pltpu.SemaphoreType.DMA,
        ],
        compiler_params=pltpu.CompilerParams(use_tc_tiling_on_sc=False),
    )
    def gather_sc(tflat_hbm, idx_hbm, g_hbm, idx_v, eidx_v, rows_v, sem):
        wid = lax.axis_index("s") * info.num_cores + lax.axis_index("c")
        base = wid * bpw
        pltpu.sync_copy(idx_hbm.at[pl.ds(base, bpw)], idx_v)

        lanes = lax.iota(jnp.int32, nl)

        def body(g, carry):
            vec = idx_v[pl.ds(g * nl, nl)]
            for j in range(nl):
                t = g * nl + j
                col = vec[j]
                for r in range(ne // nl):
                    eidx_v[pl.ds(t * ne + r * nl, nl)] = (
                        (lanes + (r * nl)) * _VSTRIDE + col
                    )
            return carry

        lax.fori_loop(0, bpw // nl, body, 0)
        pltpu.async_copy(tflat_hbm.at[eidx_v], rows_v, sem).wait()
        pltpu.sync_copy(rows_v, g_hbm.at[pl.ds(base * ne, bpw * ne)])

    return gather_sc


_VSTRIDE = 1 << 20
_DBLK = 1 << 19


def _detile_body(x_ref, out_ref, sem):
    q = pl.program_id(0)
    c = pl.program_id(1)
    for r in range(8):
        pltpu.async_copy(
            x_ref.at[0, r],
            out_ref.at[pl.ds((q * 8 + r) * _VSTRIDE + c * _DBLK, _DBLK)],
            sem,
        )
    for r in range(8):
        pltpu.make_async_copy(
            x_ref.at[0, 0], out_ref.at[pl.ds(0, _DBLK)], sem
        ).wait()


def _detile_half(t3, qbase):
    return pl.pallas_call(
        _detile_body,
        grid=(4, 2),
        in_specs=[
            pl.BlockSpec((1, 8, _DBLK), lambda q, c, qb=qbase: (q + qb, 0, c)),
        ],
        out_specs=pl.BlockSpec(memory_space=pl.ANY),
        out_shape=jax.ShapeDtypeStruct((_EMBED // 2 * _VSTRIDE,), jnp.float32),
        scratch_shapes=[pltpu.SemaphoreType.DMA],
    )(t3)


def _linear_body(x1_ref, x2_ref, w1_ref, w2_ref, b_ref, o_ref):
    o_ref[...] = (
        lax.dot_general(
            w1_ref[...], x1_ref[...],
            dimension_numbers=(((1,), (1,)), ((), ())),
            preferred_element_type=jnp.float32,
        )
        + lax.dot_general(
            w2_ref[...], x2_ref[...],
            dimension_numbers=(((1,), (1,)), ((), ())),
            preferred_element_type=jnp.float32,
        )
        + b_ref[...]
    )


@jax.jit
def kernel(input_ids, table, W, b):
    t3 = table.T.reshape(8, 8, _VOCAB)
    gather = _build_gather()
    ne = _EMBED // 2
    tflat1 = _detile_half(t3, 0)
    g1 = gather(tflat1, input_ids).reshape(_BATCH, ne)
    tflat2 = _detile_half(t3, 4)
    g2 = gather(tflat2, input_ids).reshape(_BATCH, ne)
    outT = pl.pallas_call(
        _linear_body,
        grid=(_BATCH // _MM_BLK,),
        in_specs=[
            pl.BlockSpec((_MM_BLK, ne), lambda i: (i, 0)),
            pl.BlockSpec((_MM_BLK, ne), lambda i: (i, 0)),
            pl.BlockSpec((_EMBED, ne), lambda i: (0, 0)),
            pl.BlockSpec((_EMBED, ne), lambda i: (0, 0)),
            pl.BlockSpec((_EMBED, 1), lambda i: (0, 0)),
        ],
        out_specs=pl.BlockSpec((_EMBED, _MM_BLK), lambda i: (0, i)),
        out_shape=jax.ShapeDtypeStruct((_EMBED, _BATCH), jnp.float32),
    )(g1, g2, W[:, :ne], W[:, ne:], b[:, None])
    return outT.T

# --- scband reference (transcript-rebuilt; emitter-appended) ---
"""Pipeline reference for scband-simple-model-83064667504762 (READ-ONLY COPY).

The authoritative reference and input builder live on the scoring server;
editing this copy changes nothing except your own understanding.
"""

import jax, jax.numpy as jnp
import numpy as np

VOCAB = 1000000
EMBED = 64
BATCH = 16384

def setup_inputs(seed: int = 0) -> dict:
    key = jax.random.key(seed)
    k1, k2, k3, k4 = jax.random.split(key, 4)
    input_ids = jax.random.randint(k1, (BATCH,), 0, VOCAB, dtype=jnp.int64 if jax.config.jax_enable_x64 else jnp.int32).astype(jnp.int32)
    table = jax.random.normal(k2, (VOCAB, EMBED), dtype=jnp.float32)
    # nn.Linear(embed_dim, embed_dim): weight [out, in], bias [out]
    W = jax.random.normal(k3, (EMBED, EMBED), dtype=jnp.float32) * (1.0 / np.sqrt(EMBED))
    b = jax.random.normal(k4, (EMBED,), dtype=jnp.float32) * 0.01
    return {"input_ids": input_ids, "table": table, "W": W, "b": b}

def reference(input_ids, table, W, b):
    # tokens_2d = input_ids.unsqueeze(0) -> [1, B]
    tokens_2d = input_ids[None, :]
    # h = embedding lookup -> [1, B, D]
    h = jnp.take(table, tokens_2d, axis=0)
    # h = linear(h): x @ W.T + b
    h = jnp.einsum('bsd,od->bso', h, W) + b
    # flatten [1, B, D] -> [B, D]
    bsz, s, d = h.shape
    h = h.reshape(bsz * s, d)
    return h

if False:  # reference __main__ guard neutralized (emitter)
    inp = setup_inputs()
    out = reference(**inp)
    print(out.shape)

if __name__ == "__main__":
    import jax
    _d = setup_inputs()
    print(jax.jit(kernel)(*tuple(_d.values())))

</pallas_src>

<mosaic_0001>
#map = affine_map<(d0, d1) -> (0)>
module attributes {stable_mosaic.version = 14 : i64} {
  func.func @gather_sc(%arg0: i32, %arg1: i32, %arg2: memref<33554432xf32, #tpu.memory_space<hbm>>, %arg3: memref<16384xi32, #tpu.memory_space<hbm>>, %arg4: memref<524288xf32, #tpu.memory_space<hbm>>, %arg5: memref<512xi32, #tpu.memory_space<vmem>>, %arg6: memref<16384xi32, #tpu.memory_space<vmem>>, %arg7: memref<16384xf32, #tpu.memory_space<vmem>>, %arg8: memref<!tpu.dma_semaphore, #tpu.memory_space<semaphore_mem>>) attributes {dimension_semantics = [#tpu.dimension_semantics<core_parallel>, #tpu.dimension_semantics<subcore_parallel>], iteration_bounds = array<i64: 2, 16>, scalar_prefetch = 0 : i64, scratch_operands = 4 : i64, tpu.core_type = #tpu.core_type<sc_vector_subcore>, window_params = [{transform_indices = #map}, {transform_indices = #map}, {transform_indices = #map}]} {
    %mul3A = arith.constant 2 : i32
    %mul3A_0 = arith.muli %arg1, %mul3A : i32
    %add3A = arith.addi %mul3A_0, %arg0 : i32
    %mul3A_1 = arith.constant 512 : i32
    %mul3A_2 = arith.muli %add3A, %mul3A_1 : i32
    "tpu.region"() ({
      %run_scoped3A = tpu.sem_alloc : memref<!tpu.dma_semaphore, #tpu.memory_space<semaphore_mem>>
      %dma_start3A_12 = tpu.memref_slice %arg3[%mul3A_2] : memref<16384xi32, #tpu.memory_space<hbm>> -> memref<512xi32, #tpu.memory_space<hbm>>
      %dma_start3A_13 = tpu.memref_slice %arg3[%mul3A_2] : memref<16384xi32, #tpu.memory_space<hbm>> -> memref<512xi32, #tpu.memory_space<hbm>>
      tpu.enqueue_dma source(%dma_start3A_13 : memref<512xi32, #tpu.memory_space<hbm>>) target(%arg5 : memref<512xi32, #tpu.memory_space<vmem>>) target_semaphore(%run_scoped3A : memref<!tpu.dma_semaphore, #tpu.memory_space<semaphore_mem>>)
      %dma_wait3A_14 = tpu.memref_slice %arg3[%mul3A_2] : memref<16384xi32, #tpu.memory_space<hbm>> -> memref<512xi32, #tpu.memory_space<hbm>>
      %dma_wait3A_15 = tpu.memref_slice %arg3[%mul3A_2] : memref<16384xi32, #tpu.memory_space<hbm>> -> memref<512xi32, #tpu.memory_space<hbm>>
      tpu.wait_dma2 semaphore(%run_scoped3A : memref<!tpu.dma_semaphore, #tpu.memory_space<semaphore_mem>>) src(%dma_wait3A_15 : memref<512xi32, #tpu.memory_space<hbm>>) dst(%arg5 : memref<512xi32, #tpu.memory_space<vmem>>)
      tpu.yield
    }) : () -> ()
    %iota3A = tpu.iota {dimensions = array<i32: 0>} : vector<16xi32>
    %scan3A = arith.constant 0 : i32
    %scan3A_3 = arith.constant 0 : i32
    %scan3A_4 = arith.constant 32 : i32
    %scan3A_5 = arith.addi %scan3A_3, %scan3A_4 : i32
    %scan3A_6 = arith.constant 1 : i32
    scf.for %scan3A_12 = %scan3A_3 to %scan3A_5 step %scan3A_6  : i32 {
      %mul3A_13 = arith.constant 16 : i32
      %mul3A_14 = arith.muli %scan3A_12, %mul3A_13 : i32
      %get3A = arith.index_cast %mul3A_14 : i32 to index
      %get3A_15 = tpu.vector_load %arg5[%get3A] {strides = array<i32>} : memref<512xi32, #tpu.memory_space<vmem>>, vector<16xi32>,
      %get3A_16 = vector.shape_cast %get3A_15 : vector<16xi32> to vector<16xi32>
      %mul3A_17 = arith.constant 16 : i32
      %mul3A_18 = arith.muli %scan3A_12, %mul3A_17 : i32
      %add3A_19 = arith.constant 0 : i32
      %add3A_20 = arith.addi %mul3A_18, %add3A_19 : i32
      %slice3A = vector.extract_strided_slice %get3A_16 {offsets = [0], sizes = [1], strides = [1]} : vector<16xi32> to vector<1xi32>
      %squeeze3A = vector.extract %slice3A[0] : i32 from vector<1xi32>
      %add3A_21 = arith.constant 0 : i32
      %add3A_22 = vector.broadcast %add3A_21 : i32 to vector<16xi32>
      %add3A_23 = arith.addi %iota3A, %add3A_22 : vector<16xi32>
      %mul3A_24 = arith.constant 1048576 : i32
      %mul3A_25 = vector.broadcast %mul3A_24 : i32 to vector<16xi32>
      %mul3A_26 = arith.muli %add3A_23, %mul3A_25 : vector<16xi32>
      %add3A_27 = vector.broadcast %squeeze3A : i32 to vector<16xi32>
      %add3A_28 = arith.addi %mul3A_26, %add3A_27 : vector<16xi32>
      %mul3A_29 = arith.constant 32 : i32
      %mul3A_30 = arith.muli %add3A_20, %mul3A_29 : i32
      %add3A_31 = arith.constant 0 : i32
      %add3A_32 = arith.addi %mul3A_30, %add3A_31 : i32
      %swap3A = arith.index_cast %add3A_32 : i32 to index
      %swap3A_33 = tpu.vector_load %arg6[%swap3A] {strides = array<i32>} : memref<16384xi32, #tpu.memory_space<vmem>>, vector<16xi32>,
      %swap3A_34 = vector.shape_cast %swap3A_33 : vector<16xi32> to vector<16xi32>
      %swap3A_35 = vector.shape_cast %add3A_28 : vector<16xi32> to vector<16xi32>
      tpu.vector_store %arg6[%swap3A], %swap3A_35 {strides = array<i32>} : memref<16384xi32, #tpu.memory_space<vmem>>, vector<16xi32>,
      %add3A_36 = arith.constant 16 : i32
      %add3A_37 = vector.broadcast %add3A_36 : i32 to vector<16xi32>
      %add3A_38 = arith.addi %iota3A, %add3A_37 : vector<16xi32>
      %mul3A_39 = arith.constant 1048576 : i32
      %mul3A_40 = vector.broadcast %mul3A_39 : i32 to vector<16xi32>
      %mul3A_41 = arith.muli %add3A_38, %mul3A_40 : vector<16xi32>
      %add3A_42 = vector.broadcast %squeeze3A : i32 to vector<16xi32>
      %add3A_43 = arith.addi %mul3A_41, %add3A_42 : vector<16xi32>
      %mul3A_44 = arith.constant 32 : i32
      %mul3A_45 = arith.muli %add3A_20, %mul3A_44 : i32
      %add3A_46 = arith.constant 16 : i32
      %add3A_47 = arith.addi %mul3A_45, %add3A_46 : i32
      %swap3A_48 = arith.index_cast %add3A_47 : i32 to index
      %swap3A_49 = tpu.vector_load %arg6[%swap3A_48] {strides = array<i32>} : memref<16384xi32, #tpu.memory_space<vmem>>, vector<16xi32>,
      %swap3A_50 = vector.shape_cast %swap3A_49 : vector<16xi32> to vector<16xi32>
      %swap3A_51 = vector.shape_cast %add3A_43 : vector<16xi32> to vector<16xi32>
      tpu.vector_store %arg6[%swap3A_48], %swap3A_51 {strides = array<i32>} : memref<16384xi32, #tpu.memory_space<vmem>>, vector<16xi32>,
      %mul3A_52 = arith.constant 16 : i32
      %mul3A_53 = arith.muli %scan3A_12, %mul3A_52 : i32
      %add3A_54 = arith.constant 1 : i32
      %add3A_55 = arith.addi %mul3A_53, %add3A_54 : i32
      %slice3A_56 = vector.extract_strided_slice %get3A_16 {offsets = [1], sizes = [1], strides = [1]} : vector<16xi32> to vector<1xi32>
      %squeeze3A_57 = vector.extract %slice3A_56[0] : i32 from vector<1xi32>
      %add3A_58 = arith.constant 0 : i32
      %add3A_59 = vector.broadcast %add3A_58 : i32 to vector<16xi32>
      %add3A_60 = arith.addi %iota3A, %add3A_59 : vector<16xi32>
      %mul3A_61 = arith.constant 1048576 : i32
      %mul3A_62 = vector.broadcast %mul3A_61 : i32 to vector<16xi32>
      %mul3A_63 = arith.muli %add3A_60, %mul3A_62 : vector<16xi32>
      %add3A_64 = vector.broadcast %squeeze3A_57 : i32 to vector<16xi32>
      %add3A_65 = arith.addi %mul3A_63, %add3A_64 : vector<16xi32>
      %mul3A_66 = arith.constant 32 : i32
      %mul3A_67 = arith.muli %add3A_55, %mul3A_66 : i32
      %add3A_68 = arith.constant 0 : i32
      %add3A_69 = arith.addi %mul3A_67, %add3A_68 : i32
      %swap3A_70 = arith.index_cast %add3A_69 : i32 to index
      %swap3A_71 = tpu.vector_load %arg6[%swap3A_70] {strides = array<i32>} : memref<16384xi32, #tpu.memory_space<vmem>>, vector<16xi32>,
      %swap3A_72 = vector.shape_cast %swap3A_71 : vector<16xi32> to vector<16xi32>
      %swap3A_73 = vector.shape_cast %add3A_65 : vector<16xi32> to vector<16xi32>
      tpu.vector_store %arg6[%swap3A_70], %swap3A_73 {strides = array<i32>} : memref<16384xi32, #tpu.memory_space<vmem>>, vector<16xi32>,
      %add3A_74 = arith.constant 16 : i32
      %add3A_75 = vector.broadcast %add3A_74 : i32 to vector<16xi32>
      %add3A_76 = arith.addi %iota3A, %add3A_75 : vector<16xi32>
      %mul3A_77 = arith.constant 1048576 : i32
      %mul3A_78 = vector.broadcast %mul3A_77 : i32 to vector<16xi32>
      %mul3A_79 = arith.muli %add3A_76, %mul3A_78 : vector<16xi32>
      %add3A_80 = vector.broadcast %squeeze3A_57 : i32 to vector<16xi32>
      %add3A_81 = arith.addi %mul3A_79, %add3A_80 : vector<16xi32>
      %mul3A_82 = arith.constant 32 : i32
      %mul3A_83 = arith.muli %add3A_55, %mul3A_82 : i32
      %add3A_84 = arith.constant 16 : i32
      %add3A_85 = arith.addi %mul3A_83, %add3A_84 : i32
      %swap3A_86 = arith.index_cast %add3A_85 : i32 to index
      %swap3A_87 = tpu.vector_load %arg6[%swap3A_86] {strides = array<i32>} : memref<16384xi32, #tpu.memory_space<vmem>>, vector<16xi32>,
      %swap3A_88 = vector.shape_cast %swap3A_87 : vector<16xi32> to vector<16xi32>
      %swap3A_89 = vector.shape_cast %add3A_81 : vector<16xi32> to vector<16xi32>
      tpu.vector_store %arg6[%swap3A_86], %swap3A_89 {strides = array<i32>} : memref<16384xi32, #tpu.memory_space<vmem>>, vector<16xi32>,
      %mul3A_90 = arith.constant 16 : i32
      %mul3A_91 = arith.muli %scan3A_12, %mul3A_90 : i32
      %add3A_92 = arith.constant 2 : i32
      %add3A_93 = arith.addi %mul3A_91, %add3A_92 : i32
      %slice3A_94 = vector.extract_strided_slice %get3A_16 {offsets = [2], sizes = [1], strides = [1]} : vector<16xi32> to vector<1xi32>
      %squeeze3A_95 = vector.extract %slice3A_94[0] : i32 from vector<1xi32>
      %add3A_96 = arith.constant 0 : i32
      %add3A_97 = vector.broadcast %add3A_96 : i32 to vector<16xi32>
      %add3A_98 = arith.addi %iota3A, %add3A_97 : vector<16xi32>
      %mul3A_99 = arith.constant 1048576 : i32
      %mul3A_100 = vector.broadcast %mul3A_99 : i32 to vector<16xi32>
      %mul3A_101 = arith.muli %add3A_98, %mul3A_100 : vector<16xi32>
      %add3A_102 = vector.broadcast %squeeze3A_95 : i32 to vector<16xi32>
      %add3A_103 = arith.addi %mul3A_101, %add3A_102 : vector<16xi32>
      %mul3A_104 = arith.constant 32 : i32
      %mul3A_105 = arith.muli %add3A_93, %mul3A_104 : i32
      %add3A_106 = arith.constant 0 : i32
      %add3A_107 = arith.addi %mul3A_105, %add3A_106 : i32
      %swap3A_108 = arith.index_cast %add3A_107 : i32 to index
      %swap3A_109 = tpu.vector_load %arg6[%swap3A_108] {strides = array<i32>} : memref<16384xi32, #tpu.memory_space<vmem>>, vector<16xi32>,
      %swap3A_110 = vector.shape_cast %swap3A_109 : vector<16xi32> to vector<16xi32>
      %swap3A_111 = vector.shape_cast %add3A_103 : vector<16xi32> to vector<16xi32>
      tpu.vector_store %arg6[%swap3A_108], %swap3A_111 {strides = array<i32>} : memref<16384xi32, #tpu.memory_space<vmem>>, vector<16xi32>,
      %add3A_112 = arith.constant 16 : i32
      %add3A_113 = vector.broadcast %add3A_112 : i32 to vector<16xi32>
      %add3A_114 = arith.addi %iota3A, %add3A_113 : vector<16xi32>
      %mul3A_115 = arith.constant 1048576 : i32
      %mul3A_116 = vector.broadcast %mul3A_115 : i32 to vector<16xi32>
      %mul3A_117 = arith.muli %add3A_114, %mul3A_116 : vector<16xi32>
      %add3A_118 = vector.broadcast %squeeze3A_95 : i32 to vector<16xi32>
      %add3A_119 = arith.addi %mul3A_117, %add3A_118 : vector<16xi32>
      %mul3A_120 = arith.constant 32 : i32
      %mul3A_121 = arith.muli %add3A_93, %mul3A_120 : i32
      %add3A_122 = arith.constant 16 : i32
      %add3A_123 = arith.addi %mul3A_121, %add3A_122 : i32
      %swap3A_124 = arith.index_cast %add3A_123 : i32 to index
      %swap3A_125 = tpu.vector_load %arg6[%swap3A_124] {strides = array<i32>} : memref<16384xi32, #tpu.memory_space<vmem>>, vector<16xi32>,
      %swap3A_126 = vector.shape_cast %swap3A_125 : vector<16xi32> to vector<16xi32>
      %swap3A_127 = vector.shape_cast %add3A_119 : vector<16xi32> to vector<16xi32>
      tpu.vector_store %arg6[%swap3A_124], %swap3A_127 {strides = array<i32>} : memref<16384xi32, #tpu.memory_space<vmem>>, vector<16xi32>,
      %mul3A_128 = arith.constant 16 : i32
      %mul3A_129 = arith.muli %scan3A_12, %mul3A_128 : i32
      %add3A_130 = arith.constant 3 : i32
      %add3A_131 = arith.addi %mul3A_129, %add3A_130 : i32
      %slice3A_132 = vector.extract_strided_slice %get3A_16 {offsets = [3], sizes = [1], strides = [1]} : vector<16xi32> to vector<1xi32>
      %squeeze3A_133 = vector.extract %slice3A_132[0] : i32 from vector<1xi32>
      %add3A_134 = arith.constant 0 : i32
      %add3A_135 = vector.broadcast %add3A_134 : i32 to vector<16xi32>
      %add3A_136 = arith.addi %iota3A, %add3A_135 : vector<16xi32>
      %mul3A_137 = arith.constant 1048576 : i32
      %mul3A_138 = vector.broadcast %mul3A_137 : i32 to vector<16xi32>
      %mul3A_139 = arith.muli %add3A_136, %mul3A_138 : vector<16xi32>
      %add3A_140 = vector.broadcast %squeeze3A_133 : i32 to vector<16xi32>
      %add3A_141 = arith.addi %mul3A_139, %add3A_140 : vector<16xi32>
      %mul3A_142 = arith.constant 32 : i32
      %mul3A_143 = arith.muli %add3A_131, %mul3A_142 : i32
      %add3A_144 = arith.constant 0 : i32
      %add3A_145 = arith.addi %mul3A_143, %add3A_144 : i32
      %swap3A_146 = arith.index_cast %add3A_145 : i32 to index
      %swap3A_147 = tpu.vector_load %arg6[%swap3A_146] {strides = array<i32>} : memref<16384xi32, #tpu.memory_space<vmem>>, vector<16xi32>,
      %swap3A_148 = vector.shape_cast %swap3A_147 : vector<16xi32> to vector<16xi32>
      %swap3A_149 = vector.shape_cast %add3A_141 : vector<16xi32> to vector<16xi32>
      tpu.vector_store %arg6[%swap3A_146], %swap3A_149 {strides = array<i32>} : memref<16384xi32, #tpu.memory_space<vmem>>, vector<16xi32>,
      %add3A_150 = arith.constant 16 : i32
      %add3A_151 = vector.broadcast %add3A_150 : i32 to vector<16xi32>
      %add3A_152 = arith.addi %iota3A, %add3A_151 : vector<16xi32>
      %mul3A_153 = arith.constant 1048576 : i32
      %mul3A_154 = vector.broadcast %mul3A_153 : i32 to vector<16xi32>
      %mul3A_155 = arith.muli %add3A_152, %mul3A_154 : vector<16xi32>
      %add3A_156 = vector.broadcast %squeeze3A_133 : i32 to vector<16xi32>
      %add3A_157 = arith.addi %mul3A_155, %add3A_156 : vector<16xi32>
      %mul3A_158 = arith.constant 32 : i32
      %mul3A_159 = arith.muli %add3A_131, %mul3A_158 : i32
      %add3A_160 = arith.constant 16 : i32
      %add3A_161 = arith.addi %mul3A_159, %add3A_160 : i32
      %swap3A_162 = arith.index_cast %add3A_161 : i32 to index
      %swap3A_163 = tpu.vector_load %arg6[%swap3A_162] {strides = array<i32>} : memref<16384xi32, #tpu.memory_space<vmem>>, vector<16xi32>,
      %swap3A_164 = vector.shape_cast %swap3A_163 : vector<16xi32> to vector<16xi32>
      %swap3A_165 = vector.shape_cast %add3A_157 : vector<16xi32> to vector<16xi32>
      tpu.vector_store %arg6[%swap3A_162], %swap3A_165 {strides = array<i32>} : memref<16384xi32, #tpu.memory_space<vmem>>, vector<16xi32>,
      %mul3A_166 = arith.constant 16 : i32
      %mul3A_167 = arith.muli %scan3A_12, %mul3A_166 : i32
      %add3A_168 = arith.constant 4 : i32
      %add3A_169 = arith.addi %mul3A_167, %add3A_168 : i32
      %slice3A_170 = vector.extract_strided_slice %get3A_16 {offsets = [4], sizes = [1], strides = [1]} : vector<16xi32> to vector<1xi32>
      %squeeze3A_171 = vector.extract %slice3A_170[0] : i32 from vector<1xi32>
      %add3A_172 = arith.constant 0 : i32
      %add3A_173 = vector.broadcast %add3A_172 : i32 to vector<16xi32>
      %add3A_174 = arith.addi %iota3A, %add3A_173 : vector<16xi32>
      %mul3A_175 = arith.constant 1048576 : i32
      %mul3A_176 = vector.broadcast %mul3A_175 : i32 to vector<16xi32>
      %mul3A_177 = arith.muli %add3A_174, %mul3A_176 : vector<16xi32>
      %add3A_178 = vector.broadcast %squeeze3A_171 : i32 to vector<16xi32>
      %add3A_179 = arith.addi %mul3A_177, %add3A_178 : vector<16xi32>
      %mul3A_180 = arith.constant 32 : i32
      %mul3A_181 = arith.muli %add3A_169, %mul3A_180 : i32
      %add3A_182 = arith.constant 0 : i32
      %add3A_183 = arith.addi %mul3A_181, %add3A_182 : i32
      %swap3A_184 = arith.index_cast %add3A_183 : i32 to index
      %swap3A_185 = tpu.vector_load %arg6[%swap3A_184] {strides = array<i32>} : memref<16384xi32, #tpu.memory_space<vmem>>, vector<16xi32>,
      %swap3A_186 = vector.shape_cast %swap3A_185 : vector<16xi32> to vector<16xi32>
      %swap3A_187 = vector.shape_cast %add3A_179 : vector<16xi32> to vector<16xi32>
      tpu.vector_store %arg6[%swap3A_184], %swap3A_187 {strides = array<i32>} : memref<16384xi32, #tpu.memory_space<vmem>>, vector<16xi32>,
      %add3A_188 = arith.constant 16 : i32
      %add3A_189 = vector.broadcast %add3A_188 : i32 to vector<16xi32>
      %add3A_190 = arith.addi %iota3A, %add3A_189 : vector<16xi32>
      %mul3A_191 = arith.constant 1048576 : i32
      %mul3A_192 = vector.broadcast %mul3A_191 : i32 to vector<16xi32>
      %mul3A_193 = arith.muli %add3A_190, %mul3A_192 : vector<16xi32>
      %add3A_194 = vector.broadcast %squeeze3A_171 : i32 to vector<16xi32>
      %add3A_195 = arith.addi %mul3A_193, %add3A_194 : vector<16xi32>
      %mul3A_196 = arith.constant 32 : i32
      %mul3A_197 = arith.muli %add3A_169, %mul3A_196 : i32
      %add3A_198 = arith.constant 16 : i32
      %add3A_199 = arith.addi %mul3A_197, %add3A_198 : i32
      %swap3A_200 = arith.index_cast %add3A_199 : i32 to index
      %swap3A_201 = tpu.vector_load %arg6[%swap3A_200] {strides = array<i32>} : memref<16384xi32, #tpu.memory_space<vmem>>, vector<16xi32>,
      %swap3A_202 = vector.shape_cast %swap3A_201 : vector<16xi32> to vector<16xi32>
      %swap3A_203 = vector.shape_cast %add3A_195 : vector<16xi32> to vector<16xi32>
      tpu.vector_store %arg6[%swap3A_200], %swap3A_203 {strides = array<i32>} : memref<16384xi32, #tpu.memory_space<vmem>>, vector<16xi32>,
      %mul3A_204 = arith.constant 16 : i32
      %mul3A_205 = arith.muli %scan3A_12, %mul3A_204 : i32
      %add3A_206 = arith.constant 5 : i32
      %add3A_207 = arith.addi %mul3A_205, %add3A_206 : i32
      %slice3A_208 = vector.extract_strided_slice %get3A_16 {offsets = [5], sizes = [1], strides = [1]} : vector<16xi32> to vector<1xi32>
      %squeeze3A_209 = vector.extract %slice3A_208[0] : i32 from vector<1xi32>
      %add3A_210 = arith.constant 0 : i32
      %add3A_211 = vector.broadcast %add3A_210 : i32 to vector<16xi32>
      %add3A_212 = arith.addi %iota3A, %add3A_211 : vector<16xi32>
      %mul3A_213 = arith.constant 1048576 : i32
      %mul3A_214 = vector.broadcast %mul3A_213 : i32 to vector<16xi32>
      %mul3A_215 = arith.muli %add3A_212, %mul3A_214 : vector<16xi32>
      %add3A_216 = vector.broadcast %squeeze3A_209 : i32 to vector<16xi32>
      %add3A_217 = arith.addi %mul3A_215, %add3A_216 : vector<16xi32>
      %mul3A_218 = arith.constant 32 : i32
      %mul3A_219 = arith.muli %add3A_207, %mul3A_218 : i32
      %add3A_220 = arith.constant 0 : i32
      %add3A_221 = arith.addi %mul3A_219, %add3A_220 : i32
      %swap3A_222 = arith.index_cast %add3A_221 : i32 to index
      %swap3A_223 = tpu.vector_load %arg6[%swap3A_222] {strides = array<i32>} : memref<16384xi32, #tpu.memory_space<vmem>>, vector<16xi32>,
      %swap3A_224 = vector.shape_cast %swap3A_223 : vector<16xi32> to vector<16xi32>
      %swap3A_225 = vector.shape_cast %add3A_217 : vector<16xi32> to vector<16xi32>
      tpu.vector_store %arg6[%swap3A_222], %swap3A_225 {strides = array<i32>} : memref<16384xi32, #tpu.memory_space<vmem>>, vector<16xi32>,
      %add3A_226 = arith.constant 16 : i32
      %add3A_227 = vector.broadcast %add3A_226 : i32 to vector<16xi32>
      %add3A_228 = arith.addi %iota3A, %add3A_227 : vector<16xi32>
      %mul3A_229 = arith.constant 1048576 : i32
      %mul3A_230 = vector.broadcast %mul3A_229 : i32 to vector<16xi32>
      %mul3A_231 = arith.muli %add3A_228, %mul3A_230 : vector<16xi32>
      %add3A_232 = vector.broadcast %squeeze3A_209 : i32 to vector<16xi32>
      %add3A_233 = arith.addi %mul3A_231, %add3A_232 : vector<16xi32>
      %mul3A_234 = arith.constant 32 : i32
      %mul3A_235 = arith.muli %add3A_207, %mul3A_234 : i32
      %add3A_236 = arith.constant 16 : i32
      %add3A_237 = arith.addi %mul3A_235, %add3A_236 : i32
      %swap3A_238 = arith.index_cast %add3A_237 : i32 to index
      %swap3A_239 = tpu.vector_load %arg6[%swap3A_238] {strides = array<i32>} : memref<16384xi32, #tpu.memory_space<vmem>>, vector<16xi32>,
      %swap3A_240 = vector.shape_cast %swap3A_239 : vector<16xi32> to vector<16xi32>
      %swap3A_241 = vector.shape_cast %add3A_233 : vector<16xi32> to vector<16xi32>
      tpu.vector_store %arg6[%swap3A_238], %swap3A_241 {strides = array<i32>} : memref<16384xi32, #tpu.memory_space<vmem>>, vector<16xi32>,
      %mul3A_242 = arith.constant 16 : i32
      %mul3A_243 = arith.muli %scan3A_12, %mul3A_242 : i32
      %add3A_244 = arith.constant 6 : i32
      %add3A_245 = arith.addi %mul3A_243, %add3A_244 : i32
      %slice3A_246 = vector.extract_strided_slice %get3A_16 {offsets = [6], sizes = [1], strides = [1]} : vector<16xi32> to vector<1xi32>
      %squeeze3A_247 = vector.extract %slice3A_246[0] : i32 from vector<1xi32>
      %add3A_248 = arith.constant 0 : i32
      %add3A_249 = vector.broadcast %add3A_248 : i32 to vector<16xi32>
      %add3A_250 = arith.addi %iota3A, %add3A_249 : vector<16xi32>
      %mul3A_251 = arith.constant 1048576 : i32
      %mul3A_252 = vector.broadcast %mul3A_251 : i32 to vector<16xi32>
      %mul3A_253 = arith.muli %add3A_250, %mul3A_252 : vector<16xi32>
      %add3A_254 = vector.broadcast %squeeze3A_247 : i32 to vector<16xi32>
      %add3A_255 = arith.addi %mul3A_253, %add3A_254 : vector<16xi32>
      %mul3A_256 = arith.constant 32 : i32
      %mul3A_257 = arith.muli %add3A_245, %mul3A_256 : i32
      %add3A_258 = arith.constant 0 : i32
      %add3A_259 = arith.addi %mul3A_257, %add3A_258 : i32
      %swap3A_260 = arith.index_cast %add3A_259 : i32 to index
      %swap3A_261 = tpu.vector_load %arg6[%swap3A_260] {strides = array<i32>} : memref<16384xi32, #tpu.memory_space<vmem>>, vector<16xi32>,
      %swap3A_262 = vector.shape_cast %swap3A_261 : vector<16xi32> to vector<16xi32>
      %swap3A_263 = vector.shape_cast %add3A_255 : vector<16xi32> to vector<16xi32>
      tpu.vector_store %arg6[%swap3A_260], %swap3A_263 {strides = array<i32>} : memref<16384xi32, #tpu.memory_space<vmem>>, vector<16xi32>,
      %add3A_264 = arith.constant 16 : i32
      %add3A_265 = vector.broadcast %add3A_264 : i32 to vector<16xi32>
      %add3A_266 = arith.addi %iota3A, %add3A_265 : vector<16xi32>
      %mul3A_267 = arith.constant 1048576 : i32
      %mul3A_268 = vector.broadcast %mul3A_267 : i32 to vector<16xi32>
      %mul3A_269 = arith.muli %add3A_266, %mul3A_268 : vector<16xi32>
      %add3A_270 = vector.broadcast %squeeze3A_247 : i32 to vector<16xi32>
      %add3A_271 = arith.addi %mul3A_269, %add3A_270 : vector<16xi32>
      %mul3A_272 = arith.constant 32 : i32
      %mul3A_273 = arith.muli %add3A_245, %mul3A_272 : i32
      %add3A_274 = arith.constant 16 : i32
      %add3A_275 = arith.addi %mul3A_273, %add3A_274 : i32
      %swap3A_276 = arith.index_cast %add3A_275 : i32 to index
      %swap3A_277 = tpu.vector_load %arg6[%swap3A_276] {strides = array<i32>} : memref<16384xi32, #tpu.memory_space<vmem>>, vector<16xi32>,
      %swap3A_278 = vector.shape_cast %swap3A_277 : vector<16xi32> to vector<16xi32>
      %swap3A_279 = vector.shape_cast %add3A_271 : vector<16xi32> to vector<16xi32>
      tpu.vector_store %arg6[%swap3A_276], %swap3A_279 {strides = array<i32>} : memref<16384xi32, #tpu.memory_space<vmem>>, vector<16xi32>,
      %mul3A_280 = arith.constant 16 : i32
      %mul3A_281 = arith.muli %scan3A_12, %mul3A_280 : i32
      %add3A_282 = arith.constant 7 : i32
      %add3A_283 = arith.addi %mul3A_281, %add3A_282 : i32
      %slice3A_284 = vector.extract_strided_slice %get3A_16 {offsets = [7], sizes = [1], strides = [1]} : vector<16xi32> to vector<1xi32>
      %squeeze3A_285 = vector.extract %slice3A_284[0] : i32 from vector<1xi32>
      %add3A_286 = arith.constant 0 : i32
      %add3A_287 = vector.broadcast %add3A_286 : i32 to vector<16xi32>
      %add3A_288 = arith.addi %iota3A, %add3A_287 : vector<16xi32>
      %mul3A_289 = arith.constant 1048576 : i32
      %mul3A_290 = vector.broadcast %mul3A_289 : i32 to vector<16xi32>
      %mul3A_291 = arith.muli %add3A_288, %mul3A_290 : vector<16xi32>
      %add3A_292 = vector.broadcast %squeeze3A_285 : i32 to vector<16xi32>
      %add3A_293 = arith.addi %mul3A_291, %add3A_292 : vector<16xi32>
      %mul3A_294 = arith.constant 32 : i32
      %mul3A_295 = arith.muli %add3A_283, %mul3A_294 : i32
      %add3A_296 = arith.constant 0 : i32
      %add3A_297 = arith.addi %mul3A_295, %add3A_296 : i32
      %swap3A_298 = arith.index_cast %add3A_297 : i32 to index
      %swap3A_299 = tpu.vector_load %arg6[%swap3A_298] {strides = array<i32>} : memref<16384xi32, #tpu.memory_space<vmem>>, vector<16xi32>,
      %swap3A_300 = vector.shape_cast %swap3A_299 : vector<16xi32> to vector<16xi32>
      %swap3A_301 = vector.shape_cast %add3A_293 : vector<16xi32> to vector<16xi32>
      tpu.vector_store %arg6[%swap3A_298], %swap3A_301 {strides = array<i32>} : memref<16384xi32, #tpu.memory_space<vmem>>, vector<16xi32>,
      %add3A_302 = arith.constant 16 : i32
      %add3A_303 = vector.broadcast %add3A_302 : i32 to vector<16xi32>
      %add3A_304 = arith.addi %iota3A, %add3A_303 : vector<16xi32>
      %mul3A_305 = arith.constant 1048576 : i32
      %mul3A_306 = vector.broadcast %mul3A_305 : i32 to vector<16xi32>
      %mul3A_307 = arith.muli %add3A_304, %mul3A_306 : vector<16xi32>
      %add3A_308 = vector.broadcast %squeeze3A_285 : i32 to vector<16xi32>
      %add3A_309 = arith.addi %mul3A_307, %add3A_308 : vector<16xi32>
      %mul3A_310 = arith.constant 32 : i32
      %mul3A_311 = arith.muli %add3A_283, %mul3A_310 : i32
      %add3A_312 = arith.constant 16 : i32
      %add3A_313 = arith.addi %mul3A_311, %add3A_312 : i32
      %swap3A_314 = arith.index_cast %add3A_313 : i32 to index
      %swap3A_315 = tpu.vector_load %arg6[%swap3A_314] {strides = array<i32>} : memref<16384xi32, #tpu.memory_space<vmem>>, vector<16xi32>,
      %swap3A_316 = vector.shape_cast %swap3A_315 : vector<16xi32> to vector<16xi32>
      %swap3A_317 = vector.shape_cast %add3A_309 : vector<16xi32> to vector<16xi32>
      tpu.vector_store %arg6[%swap3A_314], %swap3A_317 {strides = array<i32>} : memref<16384xi32, #tpu.memory_space<vmem>>, vector<16xi32>,
      %mul3A_318 = arith.constant 16 : i32
      %mul3A_319 = arith.muli %scan3A_12, %mul3A_318 : i32
      %add3A_320 = arith.constant 8 : i32
      %add3A_321 = arith.addi %mul3A_319, %add3A_320 : i32
      %slice3A_322 = vector.extract_strided_slice %get3A_16 {offsets = [8], sizes = [1], strides = [1]} : vector<16xi32> to vector<1xi32>
      %squeeze3A_323 = vector.extract %slice3A_322[0] : i32 from vector<1xi32>
      %add3A_324 = arith.constant 0 : i32
      %add3A_325 = vector.broadcast %add3A_324 : i32 to vector<16xi32>
      %add3A_326 = arith.addi %iota3A, %add3A_325 : vector<16xi32>
      %mul3A_327 = arith.constant 1048576 : i32
      %mul3A_328 = vector.broadcast %mul3A_327 : i32 to vector<16xi32>
      %mul3A_329 = arith.muli %add3A_326, %mul3A_328 : vector<16xi32>
      %add3A_330 = vector.broadcast %squeeze3A_323 : i32 to vector<16xi32>
      %add3A_331 = arith.addi %mul3A_329, %add3A_330 : vector<16xi32>
      %mul3A_332 = arith.constant 32 : i32
      %mul3A_333 = arith.muli %add3A_321, %mul3A_332 : i32
      %add3A_334 = arith.constant 0 : i32
      %add3A_335 = arith.addi %mul3A_333, %add3A_334 : i32
      %swap3A_336 = arith.index_cast %add3A_335 : i32 to index
      %swap3A_337 = tpu.vector_load %arg6[%swap3A_336] {strides = array<i32>} : memref<16384xi32, #tpu.memory_space<vmem>>, vector<16xi32>,
      %swap3A_338 = vector.shape_cast %swap3A_337 : vector<16xi32> to vector<16xi32>
      %swap3A_339 = vector.shape_cast %add3A_331 : vector<16xi32> to vector<16xi32>
      tpu.vector_store %arg6[%swap3A_336], %swap3A_339 {strides = array<i32>} : memref<16384xi32, #tpu.memory_space<vmem>>, vector<16xi32>,
      %add3A_340 = arith.constant 16 : i32
      %add3A_341 = vector.broadcast %add3A_340 : i32 to vector<16xi32>
      %add3A_342 = arith.addi %iota3A, %add3A_341 : vector<16xi32>
      %mul3A_343 = arith.constant 1048576 : i32
      %mul3A_344 = vector.broadcast %mul3A_343 : i32 to vector<16xi32>
      %mul3A_345 = arith.muli %add3A_342, %mul3A_344 : vector<16xi32>
      %add3A_346 = vector.broadcast %squeeze3A_323 : i32 to vector<16xi32>
      %add3A_347 = arith.addi %mul3A_345, %add3A_346 : vector<16xi32>
      %mul3A_348 = arith.constant 32 : i32
      %mul3A_349 = arith.muli %add3A_321, %mul3A_348 : i32
      %add3A_350 = arith.constant 16 : i32
      %add3A_351 = arith.addi %mul3A_349, %add3A_350 : i32
      %swap3A_352 = arith.index_cast %add3A_351 : i32 to index
      %swap3A_353 = tpu.vector_load %arg6[%swap3A_352] {strides = array<i32>} : memref<16384xi32, #tpu.memory_space<vmem>>, vector<16xi32>,
      %swap3A_354 = vector.shape_cast %swap3A_353 : vector<16xi32> to vector<16xi32>
      %swap3A_355 = vector.shape_cast %add3A_347 : vector<16xi32> to vector<16xi32>
      tpu.vector_store %arg6[%swap3A_352], %swap3A_355 {strides = array<i32>} : memref<16384xi32, #tpu.memory_space<vmem>>, vector<16xi32>,
      %mul3A_356 = arith.constant 16 : i32
      %mul3A_357 = arith.muli %scan3A_12, %mul3A_356 : i32
      %add3A_358 = arith.constant 9 : i32
      %add3A_359 = arith.addi %mul3A_357, %add3A_358 : i32
      %slice3A_360 = vector.extract_strided_slice %get3A_16 {offsets = [9], sizes = [1], strides = [1]} : vector<16xi32> to vector<1xi32>
      %squeeze3A_361 = vector.extract %slice3A_360[0] : i32 from vector<1xi32>
      %add3A_362 = arith.constant 0 : i32
      %add3A_363 = vector.broadcast %add3A_362 : i32 to vector<16xi32>
      %add3A_364 = arith.addi %iota3A, %add3A_363 : vector<16xi32>
      %mul3A_365 = arith.constant 1048576 : i32
      %mul3A_366 = vector.broadcast %mul3A_365 : i32 to vector<16xi32>
      %mul3A_367 = arith.muli %add3A_364, %mul3A_366 : vector<16xi32>
      %add3A_368 = vector.broadcast %squeeze3A_361 : i32 to vector<16xi32>
      %add3A_369 = arith.addi %mul3A_367, %add3A_368 : vector<16xi32>
      %mul3A_370 = arith.constant 32 : i32
      %mul3A_371 = arith.muli %add3A_359, %mul3A_370 : i32
      %add3A_372 = arith.constant 0 : i32
      %add3A_373 = arith.addi %mul3A_371, %add3A_372 : i32
      %swap3A_374 = arith.index_cast %add3A_373 : i32 to index
      %swap3A_375 = tpu.vector_load %arg6[%swap3A_374] {strides = array<i32>} : memref<16384xi32, #tpu.memory_space<vmem>>, vector<16xi32>,
      %swap3A_376 = vector.shape_cast %swap3A_375 : vector<16xi32> to vector<16xi32>
      %swap3A_377 = vector.shape_cast %add3A_369 : vector<16xi32> to vector<16xi32>
      tpu.vector_store %arg6[%swap3A_374], %swap3A_377 {strides = array<i32>} : memref<16384xi32, #tpu.memory_space<vmem>>, vector<16xi32>,
      %add3A_378 = arith.constant 16 : i32
      %add3A_379 = vector.broadcast %add3A_378 : i32 to vector<16xi32>
      %add3A_380 = arith.addi %iota3A, %add3A_379 : vector<16xi32>
      %mul3A_381 = arith.constant 1048576 : i32
      %mul3A_382 = vector.broadcast %mul3A_381 : i32 to vector<16xi32>
      %mul3A_383 = arith.muli %add3A_380, %mul3A_382 : vector<16xi32>
      %add3A_384 = vector.broadcast %squeeze3A_361 : i32 to vector<16xi32>
      %add3A_385 = arith.addi %mul3A_383, %add3A_384 : vector<16xi32>
      %mul3A_386 = arith.constant 32 : i32
      %mul3A_387 = arith.muli %add3A_359, %mul3A_386 : i32
      %add3A_388 = arith.constant 16 : i32
      %add3A_389 = arith.addi %mul3A_387, %add3A_388 : i32
      %swap3A_390 = arith.index_cast %add3A_389 : i32 to index
      %swap3A_391 = tpu.vector_load %arg6[%swap3A_390] {strides = array<i32>} : memref<16384xi32, #tpu.memory_space<vmem>>, vector<16xi32>,
      %swap3A_392 = vector.shape_cast %swap3A_391 : vector<16xi32> to vector<16xi32>
      %swap3A_393 = vector.shape_cast %add3A_385 : vector<16xi32> to vector<16xi32>
      tpu.vector_store %arg6[%swap3A_390], %swap3A_393 {strides = array<i32>} : memref<16384xi32, #tpu.memory_space<vmem>>, vector<16xi32>,
      %mul3A_394 = arith.constant 16 : i32
      %mul3A_395 = arith.muli %scan3A_12, %mul3A_394 : i32
      %add3A_396 = arith.constant 10 : i32
      %add3A_397 = arith.addi %mul3A_395, %add3A_396 : i32
      %slice3A_398 = vector.extract_strided_slice %get3A_16 {offsets = [10], sizes = [1], strides = [1]} : vector<16xi32> to vector<1xi32>
      %squeeze3A_399 = vector.extract %slice3A_398[0] : i32 from vector<1xi32>
      %add3A_400 = arith.constant 0 : i32
      %add3A_401 = vector.broadcast %add3A_400 : i32 to vector<16xi32>
      %add3A_402 = arith.addi %iota3A, %add3A_401 : vector<16xi32>
      %mul3A_403 = arith.constant 1048576 : i32
      %mul3A_404 = vector.broadcast %mul3A_403 : i32 to vector<16xi32>
      %mul3A_405 = arith.muli %add3A_402, %mul3A_404 : vector<16xi32>
      %add3A_406 = vector.broadcast %squeeze3A_399 : i32 to vector<16xi32>
      %add3A_407 = arith.addi %mul3A_405, %add3A_406 : vector<16xi32>
      %mul3A_408 = arith.constant 32 : i32
      %mul3A_409 = arith.muli %add3A_397, %mul3A_408 : i32
      %add3A_410 = arith.constant 0 : i32
      %add3A_411 = arith.addi %mul3A_409, %add3A_410 : i32
      %swap3A_412 = arith.index_cast %add3A_411 : i32 to index
      %swap3A_413 = tpu.vector_load %arg6[%swap3A_412] {strides = array<i32>} : memref<16384xi32, #tpu.memory_space<vmem>>, vector<16xi32>,
      %swap3A_414 = vector.shape_cast %swap3A_413 : vector<16xi32> to vector<16xi32>
      %swap3A_415 = vector.shape_cast %add3A_407 : vector<16xi32> to vector<16xi32>
      tpu.vector_store %arg6[%swap3A_412], %swap3A_415 {strides = array<i32>} : memref<16384xi32, #tpu.memory_space<vmem>>, vector<16xi32>,
      %add3A_416 = arith.constant 16 : i32
      %add3A_417 = vector.broadcast %add3A_416 : i32 to vector<16xi32>
      %add3A_418 = arith.addi %iota3A, %add3A_417 : vector<16xi32>
      %mul3A_419 = arith.constant 1048576 : i32
      %mul3A_420 = vector.broadcast %mul3A_419 : i32 to vector<16xi32>
      %mul3A_421 = arith.muli %add3A_418, %mul3A_420 : vector<16xi32>
      %add3A_422 = vector.broadcast %squeeze3A_399 : i32 to vector<16xi32>
      %add3A_423 = arith.addi %mul3A_421, %add3A_422 : vector<16xi32>
      %mul3A_424 = arith.constant 32 : i32
      %mul3A_425 = arith.muli %add3A_397, %mul3A_424 : i32
      %add3A_426 = arith.constant 16 : i32
      %add3A_427 = arith.addi %mul3A_425, %add3A_426 : i32
      %swap3A_428 = arith.index_cast %add3A_427 : i32 to index
      %swap3A_429 = tpu.vector_load %arg6[%swap3A_428] {strides = array<i32>} : memref<16384xi32, #tpu.memory_space<vmem>>, vector<16xi32>,
      %swap3A_430 = vector.shape_cast %swap3A_429 : vector<16xi32> to vector<16xi32>
      %swap3A_431 = vector.shape_cast %add3A_423 : vector<16xi32> to vector<16xi32>
      tpu.vector_store %arg6[%swap3A_428], %swap3A_431 {strides = array<i32>} : memref<16384xi32, #tpu.memory_space<vmem>>, vector<16xi32>,
      %mul3A_432 = arith.constant 16 : i32
      %mul3A_433 = arith.muli %scan3A_12, %mul3A_432 : i32
      %add3A_434 = arith.constant 11 : i32
      %add3A_435 = arith.addi %mul3A_433, %add3A_434 : i32
      %slice3A_436 = vector.extract_strided_slice %get3A_16 {offsets = [11], sizes = [1], strides = [1]} : vector<16xi32> to vector<1xi32>
      %squeeze3A_437 = vector.extract %slice3A_436[0] : i32 from vector<1xi32>
      %add3A_438 = arith.constant 0 : i32
      %add3A_439 = vector.broadcast %add3A_438 : i32 to vector<16xi32>
      %add3A_440 = arith.addi %iota3A, %add3A_439 : vector<16xi32>
      %mul3A_441 = arith.constant 1048576 : i32
      %mul3A_442 = vector.broadcast %mul3A_441 : i32 to vector<16xi32>
      %mul3A_443 = arith.muli %add3A_440, %mul3A_442 : vector<16xi32>
      %add3A_444 = vector.broadcast %squeeze3A_437 : i32 to vector<16xi32>
      %add3A_445 = arith.addi %mul3A_443, %add3A_444 : vector<16xi32>
      %mul3A_446 = arith.constant 32 : i32
      %mul3A_447 = arith.muli %add3A_435, %mul3A_446 : i32
      %add3A_448 = arith.constant 0 : i32
      %add3A_449 = arith.addi %mul3A_447, %add3A_448 : i32
      %swap3A_450 = arith.index_cast %add3A_449 : i32 to index
      %swap3A_451 = tpu.vector_load %arg6[%swap3A_450] {strides = array<i32>} : memref<16384xi32, #tpu.memory_space<vmem>>, vector<16xi32>,
      %swap3A_452 = vector.shape_cast %swap3A_451 : vector<16xi32> to vector<16xi32>
      %swap3A_453 = vector.shape_cast %add3A_445 : vector<16xi32> to vector<16xi32>
      tpu.vector_store %arg6[%swap3A_450], %swap3A_453 {strides = array<i32>} : memref<16384xi32, #tpu.memory_space<vmem>>, vector<16xi32>,
      %add3A_454 = arith.constant 16 : i32
      %add3A_455 = vector.broadcast %add3A_454 : i32 to vector<16xi32>
      %add3A_456 = arith.addi %iota3A, %add3A_455 : vector<16xi32>
      %mul3A_457 = arith.constant 1048576 : i32
      %mul3A_458 = vector.broadcast %mul3A_457 : i32 to vector<16xi32>
      %mul3A_459 = arith.muli %add3A_456, %mul3A_458 : vector<16xi32>
      %add3A_460 = vector.broadcast %squeeze3A_437 : i32 to vector<16xi32>
      %add3A_461 = arith.addi %mul3A_459, %add3A_460 : vector<16xi32>
      %mul3A_462 = arith.constant 32 : i32
      %mul3A_463 = arith.muli %add3A_435, %mul3A_462 : i32
      %add3A_464 = arith.constant 16 : i32
      %add3A_465 = arith.addi %mul3A_463, %add3A_464 : i32
      %swap3A_466 = arith.index_cast %add3A_465 : i32 to index
      %swap3A_467 = tpu.vector_load %arg6[%swap3A_466] {strides = array<i32>} : memref<16384xi32, #tpu.memory_space<vmem>>, vector<16xi32>,
      %swap3A_468 = vector.shape_cast %swap3A_467 : vector<16xi32> to vector<16xi32>
      %swap3A_469 = vector.shape_cast %add3A_461 : vector<16xi32> to vector<16xi32>
      tpu.vector_store %arg6[%swap3A_466], %swap3A_469 {strides = array<i32>} : memref<16384xi32, #tpu.memory_space<vmem>>, vector<16xi32>,
      %mul3A_470 = arith.constant 16 : i32
      %mul3A_471 = arith.muli %scan3A_12, %mul3A_470 : i32
      %add3A_472 = arith.constant 12 : i32
      %add3A_473 = arith.addi %mul3A_471, %add3A_472 : i32
      %slice3A_474 = vector.extract_strided_slice %get3A_16 {offsets = [12], sizes = [1], strides = [1]} : vector<16xi32> to vector<1xi32>
      %squeeze3A_475 = vector.extract %slice3A_474[0] : i32 from vector<1xi32>
      %add3A_476 = arith.constant 0 : i32
      %add3A_477 = vector.broadcast %add3A_476 : i32 to vector<16xi32>
      %add3A_478 = arith.addi %iota3A, %add3A_477 : vector<16xi32>
      %mul3A_479 = arith.constant 1048576 : i32
      %mul3A_480 = vector.broadcast %mul3A_479 : i32 to vector<16xi32>
      %mul3A_481 = arith.muli %add3A_478, %mul3A_480 : vector<16xi32>
      %add3A_482 = vector.broadcast %squeeze3A_475 : i32 to vector<16xi32>
      %add3A_483 = arith.addi %mul3A_481, %add3A_482 : vector<16xi32>
      %mul3A_484 = arith.constant 32 : i32
      %mul3A_485 = arith.muli %add3A_473, %mul3A_484 : i32
      %add3A_486 = arith.constant 0 : i32
      %add3A_487 = arith.addi %mul3A_485, %add3A_486 : i32
      %swap3A_488 = arith.index_cast %add3A_487 : i32 to index
      %swap3A_489 = tpu.vector_load %arg6[%swap3A_488] {strides = array<i32>} : memref<16384xi32, #tpu.memory_space<vmem>>, vector<16xi32>,
      %swap3A_490 = vector.shape_cast %swap3A_489 : vector<16xi32> to vector<16xi32>
      %swap3A_491 = vector.shape_cast %add3A_483 : vector<16xi32> to vector<16xi32>
      tpu.vector_store %arg6[%swap3A_488], %swap3A_491 {strides = array<i32>} : memref<16384xi32, #tpu.memory_space<vmem>>, vector<16xi32>,
      %add3A_492 = arith.constant 16 : i32
      %add3A_493 = vector.broadcast %add3A_492 : i32 to vector<16xi32>
      %add3A_494 = arith.addi %iota3A, %add3A_493 : vector<16xi32>
      %mul3A_495 = arith.constant 1048576 : i32
      %mul3A_496 = vector.broadcast %mul3A_495 : i32 to vector<16xi32>
      %mul3A_497 = arith.muli %add3A_494, %mul3A_496 : vector<16xi32>
      %add3A_498 = vector.broadcast %squeeze3A_475 : i32 to vector<16xi32>
      %add3A_499 = arith.addi %mul3A_497, %add3A_498 : vector<16xi32>
      %mul3A_500 = arith.constant 32 : i32
      %mul3A_501 = arith.muli %add3A_473, %mul3A_500 : i32
      %add3A_502 = arith.constant 16 : i32
      %add3A_503 = arith.addi %mul3A_501, %add3A_502 : i32
      %swap3A_504 = arith.index_cast %add3A_503 : i32 to index
      %swap3A_505 = tpu.vector_load %arg6[%swap3A_504] {strides = array<i32>} : memref<16384xi32, #tpu.memory_space<vmem>>, vector<16xi32>,
      %swap3A_506 = vector.shape_cast %swap3A_505 : vector<16xi32> to vector<16xi32>
      %swap3A_507 = vector.shape_cast %add3A_499 : vector<16xi32> to vector<16xi32>
      tpu.vector_store %arg6[%swap3A_504], %swap3A_507 {strides = array<i32>} : memref<16384xi32, #tpu.memory_space<vmem>>, vector<16xi32>,
      %mul3A_508 = arith.constant 16 : i32
      %mul3A_509 = arith.muli %scan3A_12, %mul3A_508 : i32
      %add3A_510 = arith.constant 13 : i32
      %add3A_511 = arith.addi %mul3A_509, %add3A_510 : i32
      %slice3A_512 = vector.extract_strided_slice %get3A_16 {offsets = [13], sizes = [1], strides = [1]} : vector<16xi32> to vector<1xi32>
      %squeeze3A_513 = vector.extract %slice3A_512[0] : i32 from vector<1xi32>
      %add3A_514 = arith.constant 0 : i32
      %add3A_515 = vector.broadcast %add3A_514 : i32 to vector<16xi32>
      %add3A_516 = arith.addi %iota3A, %add3A_515 : vector<16xi32>
      %mul3A_517 = arith.constant 1048576 : i32
      %mul3A_518 = vector.broadcast %mul3A_517 : i32 to vector<16xi32>
      %mul3A_519 = arith.muli %add3A_516, %mul3A_518 : vector<16xi32>
      %add3A_520 = vector.broadcast %squeeze3A_513 : i32 to vector<16xi32>
      %add3A_521 = arith.addi %mul3A_519, %add3A_520 : vector<16xi32>
      %mul3A_522 = arith.constant 32 : i32
      %mul3A_523 = arith.muli %add3A_511, %mul3A_522 : i32
      %add3A_524 = arith.constant 0 : i32
      %add3A_525 = arith.addi %mul3A_523, %add3A_524 : i32
      %swap3A_526 = arith.index_cast %add3A_525 : i32 to index
      %swap3A_527 = tpu.vector_load %arg6[%swap3A_526] {strides = array<i32>} : memref<16384xi32, #tpu.memory_space<vmem>>, vector<16xi32>,
      %swap3A_528 = vector.shape_cast %swap3A_527 : vector<16xi32> to vector<16xi32>
      %swap3A_529 = vector.shape_cast %add3A_521 : vector<16xi32> to vector<16xi32>
      tpu.vector_store %arg6[%swap3A_526], %swap3A_529 {strides = array<i32>} : memref<16384xi32, #tpu.memory_space<vmem>>, vector<16xi32>,
      %add3A_530 = arith.constant 16 : i32
      %add3A_531 = vector.broadcast %add3A_530 : i32 to vector<16xi32>
      %add3A_532 = arith.addi %iota3A, %add3A_531 : vector<16xi32>
      %mul3A_533 = arith.constant 1048576 : i32
      %mul3A_534 = vector.broadcast %mul3A_533 : i32 to vector<16xi32>
      %mul3A_535 = arith.muli %add3A_532, %mul3A_534 : vector<16xi32>
      %add3A_536 = vector.broadcast %squeeze3A_513 : i32 to vector<16xi32>
      %add3A_537 = arith.addi %mul3A_535, %add3A_536 : vector<16xi32>
      %mul3A_538 = arith.constant 32 : i32
      %mul3A_539 = arith.muli %add3A_511, %mul3A_538 : i32
      %add3A_540 = arith.constant 16 : i32
      %add3A_541 = arith.addi %mul3A_539, %add3A_540 : i32
      %swap3A_542 = arith.index_cast %add3A_541 : i32 to index
      %swap3A_543 = tpu.vector_load %arg6[%swap3A_542] {strides = array<i32>} : memref<16384xi32, #tpu.memory_space<vmem>>, vector<16xi32>,
      %swap3A_544 = vector.shape_cast %swap3A_543 : vector<16xi32> to vector<16xi32>
      %swap3A_545 = vector.shape_cast %add3A_537 : vector<16xi32> to vector<16xi32>
      tpu.vector_store %arg6[%swap3A_542], %swap3A_545 {strides = array<i32>} : memref<16384xi32, #tpu.memory_space<vmem>>, vector<16xi32>,
      %mul3A_546 = arith.constant 16 : i32
      %mul3A_547 = arith.muli %scan3A_12, %mul3A_546 : i32
      %add3A_548 = arith.constant 14 : i32
      %add3A_549 = arith.addi %mul3A_547, %add3A_548 : i32
      %slice3A_550 = vector.extract_strided_slice %get3A_16 {offsets = [14], sizes = [1], strides = [1]} : vector<16xi32> to vector<1xi32>
      %squeeze3A_551 = vector.extract %slice3A_550[0] : i32 from vector<1xi32>
      %add3A_552 = arith.constant 0 : i32
      %add3A_553 = vector.broadcast %add3A_552 : i32 to vector<16xi32>
      %add3A_554 = arith.addi %iota3A, %add3A_553 : vector<16xi32>
      %mul3A_555 = arith.constant 1048576 : i32
      %mul3A_556 = vector.broadcast %mul3A_555 : i32 to vector<16xi32>
      %mul3A_557 = arith.muli %add3A_554, %mul3A_556 : vector<16xi32>
      %add3A_558 = vector.broadcast %squeeze3A_551 : i32 to vector<16xi32>
      %add3A_559 = arith.addi %mul3A_557, %add3A_558 : vector<16xi32>
      %mul3A_560 = arith.constant 32 : i32
      %mul3A_561 = arith.muli %add3A_549, %mul3A_560 : i32
      %add3A_562 = arith.constant 0 : i32
      %add3A_563 = arith.addi %mul3A_561, %add3A_562 : i32
      %swap3A_564 = arith.index_cast %add3A_563 : i32 to index
      %swap3A_565 = tpu.vector_load %arg6[%swap3A_564] {strides = array<i32>} : memref<16384xi32, #tpu.memory_space<vmem>>, vector<16xi32>,
      %swap3A_566 = vector.shape_cast %swap3A_565 : vector<16xi32> to vector<16xi32>
      %swap3A_567 = vector.shape_cast %add3A_559 : vector<16xi32> to vector<16xi32>
      tpu.vector_store %arg6[%swap3A_564], %swap3A_567 {strides = array<i32>} : memref<16384xi32, #tpu.memory_space<vmem>>, vector<16xi32>,
      %add3A_568 = arith.constant 16 : i32
      %add3A_569 = vector.broadcast %add3A_568 : i32 to vector<16xi32>
      %add3A_570 = arith.addi %iota3A, %add3A_569 : vector<16xi32>
      %mul3A_571 = arith.constant 1048576 : i32
      %mul3A_572 = vector.broadcast %mul3A_571 : i32 to vector<16xi32>
      %mul3A_573 = arith.muli %add3A_570, %mul3A_572 : vector<16xi32>
      %add3A_574 = vector.broadcast %squeeze3A_551 : i32 to vector<16xi32>
      %add3A_575 = arith.addi %mul3A_573, %add3A_574 : vector<16xi32>
      %mul3A_576 = arith.constant 32 : i32
      %mul3A_577 = arith.muli %add3A_549, %mul3A_576 : i32
      %add3A_578 = arith.constant 16 : i32
      %add3A_579 = arith.addi %mul3A_577, %add3A_578 : i32
      %swap3A_580 = arith.index_cast %add3A_579 : i32 to index
      %swap3A_581 = tpu.vector_load %arg6[%swap3A_580] {strides = array<i32>} : memref<16384xi32, #tpu.memory_space<vmem>>, vector<16xi32>,
      %swap3A_582 = vector.shape_cast %swap3A_581 : vector<16xi32> to vector<16xi32>
      %swap3A_583 = vector.shape_cast %add3A_575 : vector<16xi32> to vector<16xi32>
      tpu.vector_store %arg6[%swap3A_580], %swap3A_583 {strides = array<i32>} : memref<16384xi32, #tpu.memory_space<vmem>>, vector<16xi32>,
      %mul3A_584 = arith.constant 16 : i32
      %mul3A_585 = arith.muli %scan3A_12, %mul3A_584 : i32
      %add3A_586 = arith.constant 15 : i32
      %add3A_587 = arith.addi %mul3A_585, %add3A_586 : i32
      %slice3A_588 = vector.extract_strided_slice %get3A_16 {offsets = [15], sizes = [1], strides = [1]} : vector<16xi32> to vector<1xi32>
      %squeeze3A_589 = vector.extract %slice3A_588[0] : i32 from vector<1xi32>
      %add3A_590 = arith.constant 0 : i32
      %add3A_591 = vector.broadcast %add3A_590 : i32 to vector<16xi32>
      %add3A_592 = arith.addi %iota3A, %add3A_591 : vector<16xi32>
      %mul3A_593 = arith.constant 1048576 : i32
      %mul3A_594 = vector.broadcast %mul3A_593 : i32 to vector<16xi32>
      %mul3A_595 = arith.muli %add3A_592, %mul3A_594 : vector<16xi32>
      %add3A_596 = vector.broadcast %squeeze3A_589 : i32 to vector<16xi32>
      %add3A_597 = arith.addi %mul3A_595, %add3A_596 : vector<16xi32>
      %mul3A_598 = arith.constant 32 : i32
      %mul3A_599 = arith.muli %add3A_587, %mul3A_598 : i32
      %add3A_600 = arith.constant 0 : i32
      %add3A_601 = arith.addi %mul3A_599, %add3A_600 : i32
      %swap3A_602 = arith.index_cast %add3A_601 : i32 to index
      %swap3A_603 = tpu.vector_load %arg6[%swap3A_602] {strides = array<i32>} : memref<16384xi32, #tpu.memory_space<vmem>>, vector<16xi32>,
      %swap3A_604 = vector.shape_cast %swap3A_603 : vector<16xi32> to vector<16xi32>
      %swap3A_605 = vector.shape_cast %add3A_597 : vector<16xi32> to vector<16xi32>
      tpu.vector_store %arg6[%swap3A_602], %swap3A_605 {strides = array<i32>} : memref<16384xi32, #tpu.memory_space<vmem>>, vector<16xi32>,
      %add3A_606 = arith.constant 16 : i32
      %add3A_607 = vector.broadcast %add3A_606 : i32 to vector<16xi32>
      %add3A_608 = arith.addi %iota3A, %add3A_607 : vector<16xi32>
      %mul3A_609 = arith.constant 1048576 : i32
      %mul3A_610 = vector.broadcast %mul3A_609 : i32 to vector<16xi32>
      %mul3A_611 = arith.muli %add3A_608, %mul3A_610 : vector<16xi32>
      %add3A_612 = vector.broadcast %squeeze3A_589 : i32 to vector<16xi32>
      %add3A_613 = arith.addi %mul3A_611, %add3A_612 : vector<16xi32>
      %mul3A_614 = arith.constant 32 : i32
      %mul3A_615 = arith.muli %add3A_587, %mul3A_614 : i32
      %add3A_616 = arith.constant 16 : i32
      %add3A_617 = arith.addi %mul3A_615, %add3A_616 : i32
      %swap3A_618 = arith.index_cast %add3A_617 : i32 to index
      %swap3A_619 = tpu.vector_load %arg6[%swap3A_618] {strides = array<i32>} : memref<16384xi32, #tpu.memory_space<vmem>>, vector<16xi32>,
      %swap3A_620 = vector.shape_cast %swap3A_619 : vector<16xi32> to vector<16xi32>
      %swap3A_621 = vector.shape_cast %add3A_613 : vector<16xi32> to vector<16xi32>
      tpu.vector_store %arg6[%swap3A_618], %swap3A_621 {strides = array<i32>} : memref<16384xi32, #tpu.memory_space<vmem>>, vector<16xi32>,
    }
    %scan3A_7 = arith.constant 32 : i32
    %dma_start3A = arith.constant 0 : i32
    %dma_start3A_8 = tpu.memref_slice %arg2[%dma_start3A] : memref<33554432xf32, #tpu.memory_space<hbm>> -> memref<33554432xf32, #tpu.memory_space<hbm>>
    tpu.enqueue_indirect_dma source(%dma_start3A_8 : memref<33554432xf32, #tpu.memory_space<hbm>>) target(%arg7 : memref<16384xf32, #tpu.memory_space<vmem>>) offsets(%arg6 : memref<16384xi32, #tpu.memory_space<vmem>>) semaphore(%arg8 : memref<!tpu.dma_semaphore, #tpu.memory_space<semaphore_mem>>)
    %dma_wait3A = arith.constant 0 : i32
    %dma_wait3A_9 = tpu.memref_slice %arg2[%dma_wait3A] : memref<33554432xf32, #tpu.memory_space<hbm>> -> memref<33554432xf32, #tpu.memory_space<hbm>>
    tpu.wait_indirect_dma semaphore(%arg8 : memref<!tpu.dma_semaphore, #tpu.memory_space<semaphore_mem>>) src(%dma_wait3A_9 : memref<33554432xf32, #tpu.memory_space<hbm>>) dst(%arg7 : memref<16384xf32, #tpu.memory_space<vmem>>)
    %mul3A_10 = arith.constant 32 : i32
    %mul3A_11 = arith.muli %mul3A_2, %mul3A_10 : i32
    "tpu.region"() ({
      %run_scoped3A = tpu.sem_alloc : memref<!tpu.dma_semaphore, #tpu.memory_space<semaphore_mem>>
      %dma_start3A_12 = tpu.memref_slice %arg4[%mul3A_11] : memref<524288xf32, #tpu.memory_space<hbm>> -> memref<16384xf32, #tpu.memory_space<hbm>>
      %dma_start3A_13 = tpu.memref_slice %arg4[%mul3A_11] : memref<524288xf32, #tpu.memory_space<hbm>> -> memref<16384xf32, #tpu.memory_space<hbm>>
      tpu.enqueue_dma source(%arg7 : memref<16384xf32, #tpu.memory_space<vmem>>) target(%dma_start3A_13 : memref<16384xf32, #tpu.memory_space<hbm>>) target_semaphore(%run_scoped3A : memref<!tpu.dma_semaphore, #tpu.memory_space<semaphore_mem>>)
      %dma_wait3A_14 = tpu.memref_slice %arg4[%mul3A_11] : memref<524288xf32, #tpu.memory_space<hbm>> -> memref<16384xf32, #tpu.memory_space<hbm>>
      %dma_wait3A_15 = tpu.memref_slice %arg4[%mul3A_11] : memref<524288xf32, #tpu.memory_space<hbm>> -> memref<16384xf32, #tpu.memory_space<hbm>>
      tpu.wait_dma2 semaphore(%run_scoped3A : memref<!tpu.dma_semaphore, #tpu.memory_space<semaphore_mem>>) src(%arg7 : memref<16384xf32, #tpu.memory_space<vmem>>) dst(%dma_wait3A_15 : memref<16384xf32, #tpu.memory_space<hbm>>)
      tpu.yield
    }) : () -> ()
    return
  }
}

#map = affine_map<(d0, d1) -> (0)>
module attributes {stable_mosaic.version = 14 : i64} {
  func.func @gather_sc(%arg0: i32, %arg1: i32, %arg2: memref<33554432xf32, #tpu.memory_space<hbm>>, %arg3: memref<16384xi32, #tpu.memory_space<hbm>>, %arg4: memref<524288xf32, #tpu.memory_space<hbm>>, %arg5: memref<512xi32, #tpu.memory_space<vmem>>, %arg6: memref<16384xi32, #tpu.memory_space<vmem>>, %arg7: memref<16384xf32, #tpu.memory_space<vmem>>, %arg8: memref<!tpu.dma_semaphore, #tpu.memory_space<semaphore_mem>>) attributes {dimension_semantics = [#tpu.dimension_semantics<core_parallel>, #tpu.dimension_semantics<subcore_parallel>], iteration_bounds = array<i64: 2, 16>, scalar_prefetch = 0 : i64, scratch_operands = 4 : i64, tpu.core_type = #tpu.core_type<sc_vector_subcore>, window_params = [{transform_indices = #map}, {transform_indices = #map}, {transform_indices = #map}]} {
    %mul3A = arith.constant 2 : i32
    %mul3A_0 = arith.muli %arg1, %mul3A : i32
    %add3A = arith.addi %mul3A_0, %arg0 : i32
    %mul3A_1 = arith.constant 512 : i32
    %mul3A_2 = arith.muli %add3A, %mul3A_1 : i32
    "tpu.region"() ({
      %run_scoped3A = tpu.sem_alloc : memref<!tpu.dma_semaphore, #tpu.memory_space<semaphore_mem>>
      %dma_start3A_12 = tpu.memref_slice %arg3[%mul3A_2] : memref<16384xi32, #tpu.memory_space<hbm>> -> memref<512xi32, #tpu.memory_space<hbm>>
      %dma_start3A_13 = tpu.memref_slice %arg3[%mul3A_2] : memref<16384xi32, #tpu.memory_space<hbm>> -> memref<512xi32, #tpu.memory_space<hbm>>
      tpu.enqueue_dma source(%dma_start3A_13 : memref<512xi32, #tpu.memory_space<hbm>>) target(%arg5 : memref<512xi32, #tpu.memory_space<vmem>>) target_semaphore(%run_scoped3A : memref<!tpu.dma_semaphore, #tpu.memory_space<semaphore_mem>>)
      %dma_wait3A_14 = tpu.memref_slice %arg3[%mul3A_2] : memref<16384xi32, #tpu.memory_space<hbm>> -> memref<512xi32, #tpu.memory_space<hbm>>
      %dma_wait3A_15 = tpu.memref_slice %arg3[%mul3A_2] : memref<16384xi32, #tpu.memory_space<hbm>> -> memref<512xi32, #tpu.memory_space<hbm>>
      tpu.wait_dma2 semaphore(%run_scoped3A : memref<!tpu.dma_semaphore, #tpu.memory_space<semaphore_mem>>) src(%dma_wait3A_15 : memref<512xi32, #tpu.memory_space<hbm>>) dst(%arg5 : memref<512xi32, #tpu.memory_space<vmem>>)
      tpu.yield
    }) : () -> ()
    %iota3A = tpu.iota {dimensions = array<i32: 0>} : vector<16xi32>
    %scan3A = arith.constant 0 : i32
    %scan3A_3 = arith.constant 0 : i32
    %scan3A_4 = arith.constant 32 : i32
    %scan3A_5 = arith.addi %scan3A_3, %scan3A_4 : i32
    %scan3A_6 = arith.constant 1 : i32
    scf.for %scan3A_12 = %scan3A_3 to %scan3A_5 step %scan3A_6  : i32 {
      %mul3A_13 = arith.constant 16 : i32
      %mul3A_14 = arith.muli %scan3A_12, %mul3A_13 : i32
      %get3A = arith.index_cast %mul3A_14 : i32 to index
      %get3A_15 = tpu.vector_load %arg5[%get3A] {strides = array<i32>} : memref<512xi32, #tpu.memory_space<vmem>>, vector<16xi32>,
      %get3A_16 = vector.shape_cast %get3A_15 : vector<16xi32> to vector<16xi32>
      %mul3A_17 = arith.constant 16 : i32
      %mul3A_18 = arith.muli %scan3A_12, %mul3A_17 : i32
      %add3A_19 = arith.constant 0 : i32
      %add3A_20 = arith.addi %mul3A_18, %add3A_19 : i32
      %slice3A = vector.extract_strided_slice %get3A_16 {offsets = [0], sizes = [1], strides = [1]} : vector<16xi32> to vector<1xi32>
      %squeeze3A = vector.extract %slice3A[0] : i32 from vector<1xi32>
      %add3A_21 = arith.constant 0 : i32
      %add3A_22 = vector.broadcast %add3A_21 : i32 to vector<16xi32>
      %add3A_23 = arith.addi %iota3A, %add3A_22 : vector<16xi32>
      %mul3A_24 = arith.constant 1048576 : i32
      %mul3A_25 = vector.broadcast %mul3A_24 : i32 to vector<16xi32>
      %mul3A_26 = arith.muli %add3A_23, %mul3A_25 : vector<16xi32>
      %add3A_27 = vector.broadcast %squeeze3A : i32 to vector<16xi32>
      %add3A_28 = arith.addi %mul3A_26, %add3A_27 : vector<16xi32>
      %mul3A_29 = arith.constant 32 : i32
      %mul3A_30 = arith.muli %add3A_20, %mul3A_29 : i32
      %add3A_31 = arith.constant 0 : i32
      %add3A_32 = arith.addi %mul3A_30, %add3A_31 : i32
      %swap3A = arith.index_cast %add3A_32 : i32 to index
      %swap3A_33 = tpu.vector_load %arg6[%swap3A] {strides = array<i32>} : memref<16384xi32, #tpu.memory_space<vmem>>, vector<16xi32>,
      %swap3A_34 = vector.shape_cast %swap3A_33 : vector<16xi32> to vector<16xi32>
      %swap3A_35 = vector.shape_cast %add3A_28 : vector<16xi32> to vector<16xi32>
      tpu.vector_store %arg6[%swap3A], %swap3A_35 {strides = array<i32>} : memref<16384xi32, #tpu.memory_space<vmem>>, vector<16xi32>,
      %add3A_36 = arith.constant 16 : i32
      %add3A_37 = vector.broadcast %add3A_36 : i32 to vector<16xi32>
      %add3A_38 = arith.addi %iota3A, %add3A_37 : vector<16xi32>
      %mul3A_39 = arith.constant 1048576 : i32
      %mul3A_40 = vector.broadcast %mul3A_39 : i32 to vector<16xi32>
      %mul3A_41 = arith.muli %add3A_38, %mul3A_40 : vector<16xi32>
      %add3A_42 = vector.broadcast %squeeze3A : i32 to vector<16xi32>
      %add3A_43 = arith.addi %mul3A_41, %add3A_42 : vector<16xi32>
      %mul3A_44 = arith.constant 32 : i32
      %mul3A_45 = arith.muli %add3A_20, %mul3A_44 : i32
      %add3A_46 = arith.constant 16 : i32
      %add3A_47 = arith.addi %mul3A_45, %add3A_46 : i32
      %swap3A_48 = arith.index_cast %add3A_47 : i32 to index
      %swap3A_49 = tpu.vector_load %arg6[%swap3A_48] {strides = array<i32>} : memref<16384xi32, #tpu.memory_space<vmem>>, vector<16xi32>,
      %swap3A_50 = vector.shape_cast %swap3A_49 : vector<16xi32> to vector<16xi32>
      %swap3A_51 = vector.shape_cast %add3A_43 : vector<16xi32> to vector<16xi32>
      tpu.vector_store %arg6[%swap3A_48], %swap3A_51 {strides = array<i32>} : memref<16384xi32, #tpu.memory_space<vmem>>, vector<16xi32>,
      %mul3A_52 = arith.constant 16 : i32
      %mul3A_53 = arith.muli %scan3A_12, %mul3A_52 : i32
      %add3A_54 = arith.constant 1 : i32
      %add3A_55 = arith.addi %mul3A_53, %add3A_54 : i32
      %slice3A_56 = vector.extract_strided_slice %get3A_16 {offsets = [1], sizes = [1], strides = [1]} : vector<16xi32> to vector<1xi32>
      %squeeze3A_57 = vector.extract %slice3A_56[0] : i32 from vector<1xi32>
      %add3A_58 = arith.constant 0 : i32
      %add3A_59 = vector.broadcast %add3A_58 : i32 to vector<16xi32>
      %add3A_60 = arith.addi %iota3A, %add3A_59 : vector<16xi32>
      %mul3A_61 = arith.constant 1048576 : i32
      %mul3A_62 = vector.broadcast %mul3A_61 : i32 to vector<16xi32>
      %mul3A_63 = arith.muli %add3A_60, %mul3A_62 : vector<16xi32>
      %add3A_64 = vector.broadcast %squeeze3A_57 : i32 to vector<16xi32>
      %add3A_65 = arith.addi %mul3A_63, %add3A_64 : vector<16xi32>
      %mul3A_66 = arith.constant 32 : i32
      %mul3A_67 = arith.muli %add3A_55, %mul3A_66 : i32
      %add3A_68 = arith.constant 0 : i32
      %add3A_69 = arith.addi %mul3A_67, %add3A_68 : i32
      %swap3A_70 = arith.index_cast %add3A_69 : i32 to index
      %swap3A_71 = tpu.vector_load %arg6[%swap3A_70] {strides = array<i32>} : memref<16384xi32, #tpu.memory_space<vmem>>, vector<16xi32>,
      %swap3A_72 = vector.shape_cast %swap3A_71 : vector<16xi32> to vector<16xi32>
      %swap3A_73 = vector.shape_cast %add3A_65 : vector<16xi32> to vector<16xi32>
      tpu.vector_store %arg6[%swap3A_70], %swap3A_73 {strides = array<i32>} : memref<16384xi32, #tpu.memory_space<vmem>>, vector<16xi32>,
      %add3A_74 = arith.constant 16 : i32
      %add3A_75 = vector.broadcast %add3A_74 : i32 to vector<16xi32>
      %add3A_76 = arith.addi %iota3A, %add3A_75 : vector<16xi32>
      %mul3A_77 = arith.constant 1048576 : i32
      %mul3A_78 = vector.broadcast %mul3A_77 : i32 to vector<16xi32>
      %mul3A_79 = arith.muli %add3A_76, %mul3A_78 : vector<16xi32>
      %add3A_80 = vector.broadcast %squeeze3A_57 : i32 to vector<16xi32>
      %add3A_81 = arith.addi %mul3A_79, %add3A_80 : vector<16xi32>
      %mul3A_82 = arith.constant 32 : i32
      %mul3A_83 = arith.muli %add3A_55, %mul3A_82 : i32
      %add3A_84 = arith.constant 16 : i32
      %add3A_85 = arith.addi %mul3A_83, %add3A_84 : i32
      %swap3A_86 = arith.index_cast %add3A_85 : i32 to index
      %swap3A_87 = tpu.vector_load %arg6[%swap3A_86] {strides = array<i32>} : memref<16384xi32, #tpu.memory_space<vmem>>, vector<16xi32>,
      %swap3A_88 = vector.shape_cast %swap3A_87 : vector<16xi32> to vector<16xi32>
      %swap3A_89 = vector.shape_cast %add3A_81 : vector<16xi32> to vector<16xi32>
      tpu.vector_store %arg6[%swap3A_86], %swap3A_89 {strides = array<i32>} : memref<16384xi32, #tpu.memory_space<vmem>>, vector<16xi32>,
      %mul3A_90 = arith.constant 16 : i32
      %mul3A_91 = arith.muli %scan3A_12, %mul3A_90 : i32
      %add3A_92 = arith.constant 2 : i32
      %add3A_93 = arith.addi %mul3A_91, %add3A_92 : i32
      %slice3A_94 = vector.extract_strided_slice %get3A_16 {offsets = [2], sizes = [1], strides = [1]} : vector<16xi32> to vector<1xi32>
      %squeeze3A_95 = vector.extract %slice3A_94[0] : i32 from vector<1xi32>
      %add3A_96 = arith.constant 0 : i32
      %add3A_97 = vector.broadcast %add3A_96 : i32 to vector<16xi32>
      %add3A_98 = arith.addi %iota3A, %add3A_97 : vector<16xi32>
      %mul3A_99 = arith.constant 1048576 : i32
      %mul3A_100 = vector.broadcast %mul3A_99 : i32 to vector<16xi32>
      %mul3A_101 = arith.muli %add3A_98, %mul3A_100 : vector<16xi32>
      %add3A_102 = vector.broadcast %squeeze3A_95 : i32 to vector<16xi32>
      %add3A_103 = arith.addi %mul3A_101, %add3A_102 : vector<16xi32>
      %mul3A_104 = arith.constant 32 : i32
      %mul3A_105 = arith.muli %add3A_93, %mul3A_104 : i32
      %add3A_106 = arith.constant 0 : i32
      %add3A_107 = arith.addi %mul3A_105, %add3A_106 : i32
      %swap3A_108 = arith.index_cast %add3A_107 : i32 to index
      %swap3A_109 = tpu.vector_load %arg6[%swap3A_108] {strides = array<i32>} : memref<16384xi32, #tpu.memory_space<vmem>>, vector<16xi32>,
      %swap3A_110 = vector.shape_cast %swap3A_109 : vector<16xi32> to vector<16xi32>
      %swap3A_111 = vector.shape_cast %add3A_103 : vector<16xi32> to vector<16xi32>
      tpu.vector_store %arg6[%swap3A_108], %swap3A_111 {strides = array<i32>} : memref<16384xi32, #tpu.memory_space<vmem>>, vector<16xi32>,
      %add3A_112 = arith.constant 16 : i32
      %add3A_113 = vector.broadcast %add3A_112 : i32 to vector<16xi32>
      %add3A_114 = arith.addi %iota3A, %add3A_113 : vector<16xi32>
      %mul3A_115 = arith.constant 1048576 : i32
      %mul3A_116 = vector.broadcast %mul3A_115 : i32 to vector<16xi32>
      %mul3A_117 = arith.muli %add3A_114, %mul3A_116 : vector<16xi32>
      %add3A_118 = vector.broadcast %squeeze3A_95 : i32 to vector<16xi32>
      %add3A_119 = arith.addi %mul3A_117, %add3A_118 : vector<16xi32>
      %mul3A_120 = arith.constant 32 : i32
      %mul3A_121 = arith.muli %add3A_93, %mul3A_120 : i32
      %add3A_122 = arith.constant 16 : i32
      %add3A_123 = arith.addi %mul3A_121, %add3A_122 : i32
      %swap3A_124 = arith.index_cast %add3A_123 : i32 to index
      %swap3A_125 = tpu.vector_load %arg6[%swap3A_124] {strides = array<i32>} : memref<16384xi32, #tpu.memory_space<vmem>>, vector<16xi32>,
      %swap3A_126 = vector.shape_cast %swap3A_125 : vector<16xi32> to vector<16xi32>
      %swap3A_127 = vector.shape_cast %add3A_119 : vector<16xi32> to vector<16xi32>
      tpu.vector_store %arg6[%swap3A_124], %swap3A_127 {strides = array<i32>} : memref<16384xi32, #tpu.memory_space<vmem>>, vector<16xi32>,
      %mul3A_128 = arith.constant 16 : i32
      %mul3A_129 = arith.muli %scan3A_12, %mul3A_128 : i32
      %add3A_130 = arith.constant 3 : i32
      %add3A_131 = arith.addi %mul3A_129, %add3A_130 : i32
      %slice3A_132 = vector.extract_strided_slice %get3A_16 {offsets = [3], sizes = [1], strides = [1]} : vector<16xi32> to vector<1xi32>
      %squeeze3A_133 = vector.extract %slice3A_132[0] : i32 from vector<1xi32>
      %add3A_134 = arith.constant 0 : i32
      %add3A_135 = vector.broadcast %add3A_134 : i32 to vector<16xi32>
      %add3A_136 = arith.addi %iota3A, %add3A_135 : vector<16xi32>
      %mul3A_137 = arith.constant 1048576 : i32
      %mul3A_138 = vector.broadcast %mul3A_137 : i32 to vector<16xi32>
      %mul3A_139 = arith.muli %add3A_136, %mul3A_138 : vector<16xi32>
      %add3A_140 = vector.broadcast %squeeze3A_133 : i32 to vector<16xi32>
      %add3A_141 = arith.addi %mul3A_139, %add3A_140 : vector<16xi32>
      %mul3A_142 = arith.constant 32 : i32
      %mul3A_143 = arith.muli %add3A_131, %mul3A_142 : i32
      %add3A_144 = arith.constant 0 : i32
      %add3A_145 = arith.addi %mul3A_143, %add3A_144 : i32
      %swap3A_146 = arith.index_cast %add3A_145 : i32 to index
      %swap3A_147 = tpu.vector_load %arg6[%swap3A_146] {strides = array<i32>} : memref<16384xi32, #tpu.memory_space<vmem>>, vector<16xi32>,
      %swap3A_148 = vector.shape_cast %swap3A_147 : vector<16xi32> to vector<16xi32>
      %swap3A_149 = vector.shape_cast %add3A_141 : vector<16xi32> to vector<16xi32>
      tpu.vector_store %arg6[%swap3A_146], %swap3A_149 {strides = array<i32>} : memref<16384xi32, #tpu.memory_space<vmem>>, vector<16xi32>,
      %add3A_150 = arith.constant 16 : i32
      %add3A_151 = vector.broadcast %add3A_150 : i32 to vector<16xi32>
      %add3A_152 = arith.addi %iota3A, %add3A_151 : vector<16xi32>
      %mul3A_153 = arith.constant 1048576 : i32
      %mul3A_154 = vector.broadcast %mul3A_153 : i32 to vector<16xi32>
      %mul3A_155 = arith.muli %add3A_152, %mul3A_154 : vector<16xi32>
      %add3A_156 = vector.broadcast %squeeze3A_133 : i32 to vector<16xi32>
      %add3A_157 = arith.addi %mul3A_155, %add3A_156 : vector<16xi32>
      %mul3A_158 = arith.constant 32 : i32
      %mul3A_159 = arith.muli %add3A_131, %mul3A_158 : i32
      %add3A_160 = arith.constant 16 : i32
      %add3A_161 = arith.addi %mul3A_159, %add3A_160 : i32
      %swap3A_162 = arith.index_cast %add3A_161 : i32 to index
      %swap3A_163 = tpu.vector_load %arg6[%swap3A_162] {strides = array<i32>} : memref<16384xi32, #tpu.memory_space<vmem>>, vector<16xi32>,
      %swap3A_164 = vector.shape_cast %swap3A_163 : vector<16xi32> to vector<16xi32>
      %swap3A_165 = vector.shape_cast %add3A_157 : vector<16xi32> to vector<16xi32>
      tpu.vector_store %arg6[%swap3A_162], %swap3A_165 {strides = array<i32>} : memref<16384xi32, #tpu.memory_space<vmem>>, vector<16xi32>,
      %mul3A_166 = arith.constant 16 : i32
      %mul3A_167 = arith.muli %scan3A_12, %mul3A_166 : i32
      %add3A_168 = arith.constant 4 : i32
      %add3A_169 = arith.addi %mul3A_167, %add3A_168 : i32
      %slice3A_170 = vector.extract_strided_slice %get3A_16 {offsets = [4], sizes = [1], strides = [1]} : vector<16xi32> to vector<1xi32>
      %squeeze3A_171 = vector.extract %slice3A_170[0] : i32 from vector<1xi32>
      %add3A_172 = arith.constant 0 : i32
      %add3A_173 = vector.broadcast %add3A_172 : i32 to vector<16xi32>
      %add3A_174 = arith.addi %iota3A, %add3A_173 : vector<16xi32>
      %mul3A_175 = arith.constant 1048576 : i32
      %mul3A_176 = vector.broadcast %mul3A_175 : i32 to vector<16xi32>
      %mul3A_177 = arith.muli %add3A_174, %mul3A_176 : vector<16xi32>
      %add3A_178 = vector.broadcast %squeeze3A_171 : i32 to vector<16xi32>
      %add3A_179 = arith.addi %mul3A_177, %add3A_178 : vector<16xi32>
      %mul3A_180 = arith.constant 32 : i32
      %mul3A_181 = arith.muli %add3A_169, %mul3A_180 : i32
      %add3A_182 = arith.constant 0 : i32
      %add3A_183 = arith.addi %mul3A_181, %add3A_182 : i32
      %swap3A_184 = arith.index_cast %add3A_183 : i32 to index
      %swap3A_185 = tpu.vector_load %arg6[%swap3A_184] {strides = array<i32>} : memref<16384xi32, #tpu.memory_space<vmem>>, vector<16xi32>,
      %swap3A_186 = vector.shape_cast %swap3A_185 : vector<16xi32> to vector<16xi32>
      %swap3A_187 = vector.shape_cast %add3A_179 : vector<16xi32> to vector<16xi32>
      tpu.vector_store %arg6[%swap3A_184], %swap3A_187 {strides = array<i32>} : memref<16384xi32, #tpu.memory_space<vmem>>, vector<16xi32>,
      %add3A_188 = arith.constant 16 : i32
      %add3A_189 = vector.broadcast %add3A_188 : i32 to vector<16xi32>
      %add3A_190 = arith.addi %iota3A, %add3A_189 : vector<16xi32>
      %mul3A_191 = arith.constant 1048576 : i32
      %mul3A_192 = vector.broadcast %mul3A_191 : i32 to vector<16xi32>
      %mul3A_193 = arith.muli %add3A_190, %mul3A_192 : vector<16xi32>
      %add3A_194 = vector.broadcast %squeeze3A_171 : i32 to vector<16xi32>
      %add3A_195 = arith.addi %mul3A_193, %add3A_194 : vector<16xi32>
      %mul3A_196 = arith.constant 32 : i32
      %mul3A_197 = arith.muli %add3A_169, %mul3A_196 : i32
      %add3A_198 = arith.constant 16 : i32
      %add3A_199 = arith.addi %mul3A_197, %add3A_198 : i32
      %swap3A_200 = arith.index_cast %add3A_199 : i32 to index
      %swap3A_201 = tpu.vector_load %arg6[%swap3A_200] {strides = array<i32>} : memref<16384xi32, #tpu.memory_space<vmem>>, vector<16xi32>,
      %swap3A_202 = vector.shape_cast %swap3A_201 : vector<16xi32> to vector<16xi32>
      %swap3A_203 = vector.shape_cast %add3A_195 : vector<16xi32> to vector<16xi32>
      tpu.vector_store %arg6[%swap3A_200], %swap3A_203 {strides = array<i32>} : memref<16384xi32, #tpu.memory_space<vmem>>, vector<16xi32>,
      %mul3A_204 = arith.constant 16 : i32
      %mul3A_205 = arith.muli %scan3A_12, %mul3A_204 : i32
      %add3A_206 = arith.constant 5 : i32
      %add3A_207 = arith.addi %mul3A_205, %add3A_206 : i32
      %slice3A_208 = vector.extract_strided_slice %get3A_16 {offsets = [5], sizes = [1], strides = [1]} : vector<16xi32> to vector<1xi32>
      %squeeze3A_209 = vector.extract %slice3A_208[0] : i32 from vector<1xi32>
      %add3A_210 = arith.constant 0 : i32
      %add3A_211 = vector.broadcast %add3A_210 : i32 to vector<16xi32>
      %add3A_212 = arith.addi %iota3A, %add3A_211 : vector<16xi32>
      %mul3A_213 = arith.constant 1048576 : i32
      %mul3A_214 = vector.broadcast %mul3A_213 : i32 to vector<16xi32>
      %mul3A_215 = arith.muli %add3A_212, %mul3A_214 : vector<16xi32>
      %add3A_216 = vector.broadcast %squeeze3A_209 : i32 to vector<16xi32>
      %add3A_217 = arith.addi %mul3A_215, %add3A_216 : vector<16xi32>
      %mul3A_218 = arith.constant 32 : i32
      %mul3A_219 = arith.muli %add3A_207, %mul3A_218 : i32
      %add3A_220 = arith.constant 0 : i32
      %add3A_221 = arith.addi %mul3A_219, %add3A_220 : i32
      %swap3A_222 = arith.index_cast %add3A_221 : i32 to index
      %swap3A_223 = tpu.vector_load %arg6[%swap3A_222] {strides = array<i32>} : memref<16384xi32, #tpu.memory_space<vmem>>, vector<16xi32>,
      %swap3A_224 = vector.shape_cast %swap3A_223 : vector<16xi32> to vector<16xi32>
      %swap3A_225 = vector.shape_cast %add3A_217 : vector<16xi32> to vector<16xi32>
      tpu.vector_store %arg6[%swap3A_222], %swap3A_225 {strides = array<i32>} : memref<16384xi32, #tpu.memory_space<vmem>>, vector<16xi32>,
      %add3A_226 = arith.constant 16 : i32
      %add3A_227 = vector.broadcast %add3A_226 : i32 to vector<16xi32>
      %add3A_228 = arith.addi %iota3A, %add3A_227 : vector<16xi32>
      %mul3A_229 = arith.constant 1048576 : i32
      %mul3A_230 = vector.broadcast %mul3A_229 : i32 to vector<16xi32>
      %mul3A_231 = arith.muli %add3A_228, %mul3A_230 : vector<16xi32>
      %add3A_232 = vector.broadcast %squeeze3A_209 : i32 to vector<16xi32>
      %add3A_233 = arith.addi %mul3A_231, %add3A_232 : vector<16xi32>
      %mul3A_234 = arith.constant 32 : i32
      %mul3A_235 = arith.muli %add3A_207, %mul3A_234 : i32
      %add3A_236 = arith.constant 16 : i32
      %add3A_237 = arith.addi %mul3A_235, %add3A_236 : i32
      %swap3A_238 = arith.index_cast %add3A_237 : i32 to index
      %swap3A_239 = tpu.vector_load %arg6[%swap3A_238] {strides = array<i32>} : memref<16384xi32, #tpu.memory_space<vmem>>, vector<16xi32>,
      %swap3A_240 = vector.shape_cast %swap3A_239 : vector<16xi32> to vector<16xi32>
      %swap3A_241 = vector.shape_cast %add3A_233 : vector<16xi32> to vector<16xi32>
      tpu.vector_store %arg6[%swap3A_238], %swap3A_241 {strides = array<i32>} : memref<16384xi32, #tpu.memory_space<vmem>>, vector<16xi32>,
      %mul3A_242 = arith.constant 16 : i32
      %mul3A_243 = arith.muli %scan3A_12, %mul3A_242 : i32
      %add3A_244 = arith.constant 6 : i32
      %add3A_245 = arith.addi %mul3A_243, %add3A_244 : i32
      %slice3A_246 = vector.extract_strided_slice %get3A_16 {offsets = [6], sizes = [1], strides = [1]} : vector<16xi32> to vector<1xi32>
      %squeeze3A_247 = vector.extract %slice3A_246[0] : i32 from vector<1xi32>
      %add3A_248 = arith.constant 0 : i32
      %add3A_249 = vector.broadcast %add3A_248 : i32 to vector<16xi32>
      %add3A_250 = arith.addi %iota3A, %add3A_249 : vector<16xi32>
      %mul3A_251 = arith.constant 1048576 : i32
      %mul3A_252 = vector.broadcast %mul3A_251 : i32 to vector<16xi32>
      %mul3A_253 = arith.muli %add3A_250, %mul3A_252 : vector<16xi32>
      %add3A_254 = vector.broadcast %squeeze3A_247 : i32 to vector<16xi32>
      %add3A_255 = arith.addi %mul3A_253, %add3A_254 : vector<16xi32>
      %mul3A_256 = arith.constant 32 : i32
      %mul3A_257 = arith.muli %add3A_245, %mul3A_256 : i32
      %add3A_258 = arith.constant 0 : i32
      %add3A_259 = arith.addi %mul3A_257, %add3A_258 : i32
      %swap3A_260 = arith.index_cast %add3A_259 : i32 to index
      %swap3A_261 = tpu.vector_load %arg6[%swap3A_260] {strides = array<i32>} : memref<16384xi32, #tpu.memory_space<vmem>>, vector<16xi32>,
      %swap3A_262 = vector.shape_cast %swap3A_261 : vector<16xi32> to vector<16xi32>
      %swap3A_263 = vector.shape_cast %add3A_255 : vector<16xi32> to vector<16xi32>
      tpu.vector_store %arg6[%swap3A_260], %swap3A_263 {strides = array<i32>} : memref<16384xi32, #tpu.memory_space<vmem>>, vector<16xi32>,
      %add3A_264 = arith.constant 16 : i32
      %add3A_265 = vector.broadcast %add3A_264 : i32 to vector<16xi32>
      %add3A_266 = arith.addi %iota3A, %add3A_265 : vector<16xi32>
      %mul3A_267 = arith.constant 1048576 : i32
      %mul3A_268 = vector.broadcast %mul3A_267 : i32 to vector<16xi32>
      %mul3A_269 = arith.muli %add3A_266, %mul3A_268 : vector<16xi32>
      %add3A_270 = vector.broadcast %squeeze3A_247 : i32 to vector<16xi32>
      %add3A_271 = arith.addi %mul3A_269, %add3A_270 : vector<16xi32>
      %mul3A_272 = arith.constant 32 : i32
      %mul3A_273 = arith.muli %add3A_245, %mul3A_272 : i32
      %add3A_274 = arith.constant 16 : i32
      %add3A_275 = arith.addi %mul3A_273, %add3A_274 : i32
      %swap3A_276 = arith.index_cast %add3A_275 : i32 to index
      %swap3A_277 = tpu.vector_load %arg6[%swap3A_276] {strides = array<i32>} : memref<16384xi32, #tpu.memory_space<vmem>>, vector<16xi32>,
      %swap3A_278 = vector.shape_cast %swap3A_277 : vector<16xi32> to vector<16xi32>
      %swap3A_279 = vector.shape_cast %add3A_271 : vector<16xi32> to vector<16xi32>
      tpu.vector_store %arg6[%swap3A_276], %swap3A_279 {strides = array<i32>} : memref<16384xi32, #tpu.memory_space<vmem>>, vector<16xi32>,
      %mul3A_280 = arith.constant 16 : i32
      %mul3A_281 = arith.muli %scan3A_12, %mul3A_280 : i32
      %add3A_282 = arith.constant 7 : i32
      %add3A_283 = arith.addi %mul3A_281, %add3A_282 : i32
      %slice3A_284 = vector.extract_strided_slice %get3A_16 {offsets = [7], sizes = [1], strides = [1]} : vector<16xi32> to vector<1xi32>
      %squeeze3A_285 = vector.extract %slice3A_284[0] : i32 from vector<1xi32>
      %add3A_286 = arith.constant 0 : i32
      %add3A_287 = vector.broadcast %add3A_286 : i32 to vector<16xi32>
      %add3A_288 = arith.addi %iota3A, %add3A_287 : vector<16xi32>
      %mul3A_289 = arith.constant 1048576 : i32
      %mul3A_290 = vector.broadcast %mul3A_289 : i32 to vector<16xi32>
      %mul3A_291 = arith.muli %add3A_288, %mul3A_290 : vector<16xi32>
      %add3A_292 = vector.broadcast %squeeze3A_285 : i32 to vector<16xi32>
      %add3A_293 = arith.addi %mul3A_291, %add3A_292 : vector<16xi32>
      %mul3A_294 = arith.constant 32 : i32
      %mul3A_295 = arith.muli %add3A_283, %mul3A_294 : i32
      %add3A_296 = arith.constant 0 : i32
      %add3A_297 = arith.addi %mul3A_295, %add3A_296 : i32
      %swap3A_298 = arith.index_cast %add3A_297 : i32 to index
      %swap3A_299 = tpu.vector_load %arg6[%swap3A_298] {strides = array<i32>} : memref<16384xi32, #tpu.memory_space<vmem>>, vector<16xi32>,
      %swap3A_300 = vector.shape_cast %swap3A_299 : vector<16xi32> to vector<16xi32>
      %swap3A_301 = vector.shape_cast %add3A_293 : vector<16xi32> to vector<16xi32>
      tpu.vector_store %arg6[%swap3A_298], %swap3A_301 {strides = array<i32>} : memref<16384xi32, #tpu.memory_space<vmem>>, vector<16xi32>,
      %add3A_302 = arith.constant 16 : i32
      %add3A_303 = vector.broadcast %add3A_302 : i32 to vector<16xi32>
      %add3A_304 = arith.addi %iota3A, %add3A_303 : vector<16xi32>
      %mul3A_305 = arith.constant 1048576 : i32
      %mul3A_306 = vector.broadcast %mul3A_305 : i32 to vector<16xi32>
      %mul3A_307 = arith.muli %add3A_304, %mul3A_306 : vector<16xi32>
      %add3A_308 = vector.broadcast %squeeze3A_285 : i32 to vector<16xi32>
      %add3A_309 = arith.addi %mul3A_307, %add3A_308 : vector<16xi32>
      %mul3A_310 = arith.constant 32 : i32
      %mul3A_311 = arith.muli %add3A_283, %mul3A_310 : i32
      %add3A_312 = arith.constant 16 : i32
      %add3A_313 = arith.addi %mul3A_311, %add3A_312 : i32
      %swap3A_314 = arith.index_cast %add3A_313 : i32 to index
      %swap3A_315 = tpu.vector_load %arg6[%swap3A_314] {strides = array<i32>} : memref<16384xi32, #tpu.memory_space<vmem>>, vector<16xi32>,
      %swap3A_316 = vector.shape_cast %swap3A_315 : vector<16xi32> to vector<16xi32>
      %swap3A_317 = vector.shape_cast %add3A_309 : vector<16xi32> to vector<16xi32>
      tpu.vector_store %arg6[%swap3A_314], %swap3A_317 {strides = array<i32>} : memref<16384xi32, #tpu.memory_space<vmem>>, vector<16xi32>,
      %mul3A_318 = arith.constant 16 : i32
      %mul3A_319 = arith.muli %scan3A_12, %mul3A_318 : i32
      %add3A_320 = arith.constant 8 : i32
      %add3A_321 = arith.addi %mul3A_319, %add3A_320 : i32
      %slice3A_322 = vector.extract_strided_slice %get3A_16 {offsets = [8], sizes = [1], strides = [1]} : vector<16xi32> to vector<1xi32>
      %squeeze3A_323 = vector.extract %slice3A_322[0] : i32 from vector<1xi32>
      %add3A_324 = arith.constant 0 : i32
      %add3A_325 = vector.broadcast %add3A_324 : i32 to vector<16xi32>
      %add3A_326 = arith.addi %iota3A, %add3A_325 : vector<16xi32>
      %mul3A_327 = arith.constant 1048576 : i32
      %mul3A_328 = vector.broadcast %mul3A_327 : i32 to vector<16xi32>
      %mul3A_329 = arith.muli %add3A_326, %mul3A_328 : vector<16xi32>
      %add3A_330 = vector.broadcast %squeeze3A_323 : i32 to vector<16xi32>
      %add3A_331 = arith.addi %mul3A_329, %add3A_330 : vector<16xi32>
      %mul3A_332 = arith.constant 32 : i32
      %mul3A_333 = arith.muli %add3A_321, %mul3A_332 : i32
      %add3A_334 = arith.constant 0 : i32
      %add3A_335 = arith.addi %mul3A_333, %add3A_334 : i32
      %swap3A_336 = arith.index_cast %add3A_335 : i32 to index
      %swap3A_337 = tpu.vector_load %arg6[%swap3A_336] {strides = array<i32>} : memref<16384xi32, #tpu.memory_space<vmem>>, vector<16xi32>,
      %swap3A_338 = vector.shape_cast %swap3A_337 : vector<16xi32> to vector<16xi32>
      %swap3A_339 = vector.shape_cast %add3A_331 : vector<16xi32> to vector<16xi32>
      tpu.vector_store %arg6[%swap3A_336], %swap3A_339 {strides = array<i32>} : memref<16384xi32, #tpu.memory_space<vmem>>, vector<16xi32>,
      %add3A_340 = arith.constant 16 : i32
      %add3A_341 = vector.broadcast %add3A_340 : i32 to vector<16xi32>
      %add3A_342 = arith.addi %iota3A, %add3A_341 : vector<16xi32>
      %mul3A_343 = arith.constant 1048576 : i32
      %mul3A_344 = vector.broadcast %mul3A_343 : i32 to vector<16xi32>
      %mul3A_345 = arith.muli %add3A_342, %mul3A_344 : vector<16xi32>
      %add3A_346 = vector.broadcast %squeeze3A_323 : i32 to vector<16xi32>
      %add3A_347 = arith.addi %mul3A_345, %add3A_346 : vector<16xi32>
      %mul3A_348 = arith.constant 32 : i32
      %mul3A_349 = arith.muli %add3A_321, %mul3A_348 : i32
      %add3A_350 = arith.constant 16 : i32
      %add3A_351 = arith.addi %mul3A_349, %add3A_350 : i32
      %swap3A_352 = arith.index_cast %add3A_351 : i32 to index
      %swap3A_353 = tpu.vector_load %arg6[%swap3A_352] {strides = array<i32>} : memref<16384xi32, #tpu.memory_space<vmem>>, vector<16xi32>,
      %swap3A_354 = vector.shape_cast %swap3A_353 : vector<16xi32> to vector<16xi32>
      %swap3A_355 = vector.shape_cast %add3A_347 : vector<16xi32> to vector<16xi32>
      tpu.vector_store %arg6[%swap3A_352], %swap3A_355 {strides = array<i32>} : memref<16384xi32, #tpu.memory_space<vmem>>, vector<16xi32>,
      %mul3A_356 = arith.constant 16 : i32
      %mul3A_357 = arith.muli %scan3A_12, %mul3A_356 : i32
      %add3A_358 = arith.constant 9 : i32
      %add3A_359 = arith.addi %mul3A_357, %add3A_358 : i32
      %slice3A_360 = vector.extract_strided_slice %get3A_16 {offsets = [9], sizes = [1], strides = [1]} : vector<16xi32> to vector<1xi32>
      %squeeze3A_361 = vector.extract %slice3A_360[0] : i32 from vector<1xi32>
      %add3A_362 = arith.constant 0 : i32
      %add3A_363 = vector.broadcast %add3A_362 : i32 to vector<16xi32>
      %add3A_364 = arith.addi %iota3A, %add3A_363 : vector<16xi32>
      %mul3A_365 = arith.constant 1048576 : i32
      %mul3A_366 = vector.broadcast %mul3A_365 : i32 to vector<16xi32>
      %mul3A_367 = arith.muli %add3A_364, %mul3A_366 : vector<16xi32>
      %add3A_368 = vector.broadcast %squeeze3A_361 : i32 to vector<16xi32>
      %add3A_369 = arith.addi %mul3A_367, %add3A_368 : vector<16xi32>
      %mul3A_370 = arith.constant 32 : i32
      %mul3A_371 = arith.muli %add3A_359, %mul3A_370 : i32
      %add3A_372 = arith.constant 0 : i32
      %add3A_373 = arith.addi %mul3A_371, %add3A_372 : i32
      %swap3A_374 = arith.index_cast %add3A_373 : i32 to index
      %swap3A_375 = tpu.vector_load %arg6[%swap3A_374] {strides = array<i32>} : memref<16384xi32, #tpu.memory_space<vmem>>, vector<16xi32>,
      %swap3A_376 = vector.shape_cast %swap3A_375 : vector<16xi32> to vector<16xi32>
      %swap3A_377 = vector.shape_cast %add3A_369 : vector<16xi32> to vector<16xi32>
      tpu.vector_store %arg6[%swap3A_374], %swap3A_377 {strides = array<i32>} : memref<16384xi32, #tpu.memory_space<vmem>>, vector<16xi32>,
      %add3A_378 = arith.constant 16 : i32
      %add3A_379 = vector.broadcast %add3A_378 : i32 to vector<16xi32>
      %add3A_380 = arith.addi %iota3A, %add3A_379 : vector<16xi32>
      %mul3A_381 = arith.constant 1048576 : i32
      %mul3A_382 = vector.broadcast %mul3A_381 : i32 to vector<16xi32>
      %mul3A_383 = arith.muli %add3A_380, %mul3A_382 : vector<16xi32>
      %add3A_384 = vector.broadcast %squeeze3A_361 : i32 to vector<16xi32>
      %add3A_385 = arith.addi %mul3A_383, %add3A_384 : vector<16xi32>
      %mul3A_386 = arith.constant 32 : i32
      %mul3A_387 = arith.muli %add3A_359, %mul3A_386 : i32
      %add3A_388 = arith.constant 16 : i32
      %add3A_389 = arith.addi %mul3A_387, %add3A_388 : i32
      %swap3A_390 = arith.index_cast %add3A_389 : i32 to index
      %swap3A_391 = tpu.vector_load %arg6[%swap3A_390] {strides = array<i32>} : memref<16384xi32, #tpu.memory_space<vmem>>, vector<16xi32>,
      %swap3A_392 = vector.shape_cast %swap3A_391 : vector<16xi32> to vector<16xi32>
      %swap3A_393 = vector.shape_cast %add3A_385 : vector<16xi32> to vector<16xi32>
      tpu.vector_store %arg6[%swap3A_390], %swap3A_393 {strides = array<i32>} : memref<16384xi32, #tpu.memory_space<vmem>>, vector<16xi32>,
      %mul3A_394 = arith.constant 16 : i32
      %mul3A_395 = arith.muli %scan3A_12, %mul3A_394 : i32
      %add3A_396 = arith.constant 10 : i32
      %add3A_397 = arith.addi %mul3A_395, %add3A_396 : i32
      %slice3A_398 = vector.extract_strided_slice %get3A_16 {offsets = [10], sizes = [1], strides = [1]} : vector<16xi32> to vector<1xi32>
      %squeeze3A_399 = vector.extract %slice3A_398[0] : i32 from vector<1xi32>
      %add3A_400 = arith.constant 0 : i32
      %add3A_401 = vector.broadcast %add3A_400 : i32 to vector<16xi32>
      %add3A_402 = arith.addi %iota3A, %add3A_401 : vector<16xi32>
      %mul3A_403 = arith.constant 1048576 : i32
      %mul3A_404 = vector.broadcast %mul3A_403 : i32 to vector<16xi32>
      %mul3A_405 = arith.muli %add3A_402, %mul3A_404 : vector<16xi32>
      %add3A_406 = vector.broadcast %squeeze3A_399 : i32 to vector<16xi32>
      %add3A_407 = arith.addi %mul3A_405, %add3A_406 : vector<16xi32>
      %mul3A_408 = arith.constant 32 : i32
      %mul3A_409 = arith.muli %add3A_397, %mul3A_408 : i32
      %add3A_410 = arith.constant 0 : i32
      %add3A_411 = arith.addi %mul3A_409, %add3A_410 : i32
      %swap3A_412 = arith.index_cast %add3A_411 : i32 to index
      %swap3A_413 = tpu.vector_load %arg6[%swap3A_412] {strides = array<i32>} : memref<16384xi32, #tpu.memory_space<vmem>>, vector<16xi32>,
      %swap3A_414 = vector.shape_cast %swap3A_413 : vector<16xi32> to vector<16xi32>
      %swap3A_415 = vector.shape_cast %add3A_407 : vector<16xi32> to vector<16xi32>
      tpu.vector_store %arg6[%swap3A_412], %swap3A_415 {strides = array<i32>} : memref<16384xi32, #tpu.memory_space<vmem>>, vector<16xi32>,
      %add3A_416 = arith.constant 16 : i32
      %add3A_417 = vector.broadcast %add3A_416 : i32 to vector<16xi32>
      %add3A_418 = arith.addi %iota3A, %add3A_417 : vector<16xi32>
      %mul3A_419 = arith.constant 1048576 : i32
      %mul3A_420 = vector.broadcast %mul3A_419 : i32 to vector<16xi32>
      %mul3A_421 = arith.muli %add3A_418, %mul3A_420 : vector<16xi32>
      %add3A_422 = vector.broadcast %squeeze3A_399 : i32 to vector<16xi32>
      %add3A_423 = arith.addi %mul3A_421, %add3A_422 : vector<16xi32>
      %mul3A_424 = arith.constant 32 : i32
      %mul3A_425 = arith.muli %add3A_397, %mul3A_424 : i32
      %add3A_426 = arith.constant 16 : i32
      %add3A_427 = arith.addi %mul3A_425, %add3A_426 : i32
      %swap3A_428 = arith.index_cast %add3A_427 : i32 to index
      %swap3A_429 = tpu.vector_load %arg6[%swap3A_428] {strides = array<i32>} : memref<16384xi32, #tpu.memory_space<vmem>>, vector<16xi32>,
      %swap3A_430 = vector.shape_cast %swap3A_429 : vector<16xi32> to vector<16xi32>
      %swap3A_431 = vector.shape_cast %add3A_423 : vector<16xi32> to vector<16xi32>
      tpu.vector_store %arg6[%swap3A_428], %swap3A_431 {strides = array<i32>} : memref<16384xi32, #tpu.memory_space<vmem>>, vector<16xi32>,
      %mul3A_432 = arith.constant 16 : i32
      %mul3A_433 = arith.muli %scan3A_12, %mul3A_432 : i32
      %add3A_434 = arith.constant 11 : i32
      %add3A_435 = arith.addi %mul3A_433, %add3A_434 : i32
      %slice3A_436 = vector.extract_strided_slice %get3A_16 {offsets = [11], sizes = [1], strides = [1]} : vector<16xi32> to vector<1xi32>
      %squeeze3A_437 = vector.extract %slice3A_436[0] : i32 from vector<1xi32>
      %add3A_438 = arith.constant 0 : i32
      %add3A_439 = vector.broadcast %add3A_438 : i32 to vector<16xi32>
      %add3A_440 = arith.addi %iota3A, %add3A_439 : vector<16xi32>
      %mul3A_441 = arith.constant 1048576 : i32
      %mul3A_442 = vector.broadcast %mul3A_441 : i32 to vector<16xi32>
      %mul3A_443 = arith.muli %add3A_440, %mul3A_442 : vector<16xi32>
      %add3A_444 = vector.broadcast %squeeze3A_437 : i32 to vector<16xi32>
      %add3A_445 = arith.addi %mul3A_443, %add3A_444 : vector<16xi32>
      %mul3A_446 = arith.constant 32 : i32
      %mul3A_447 = arith.muli %add3A_435, %mul3A_446 : i32
      %add3A_448 = arith.constant 0 : i32
      %add3A_449 = arith.addi %mul3A_447, %add3A_448 : i32
      %swap3A_450 = arith.index_cast %add3A_449 : i32 to index
      %swap3A_451 = tpu.vector_load %arg6[%swap3A_450] {strides = array<i32>} : memref<16384xi32, #tpu.memory_space<vmem>>, vector<16xi32>,
      %swap3A_452 = vector.shape_cast %swap3A_451 : vector<16xi32> to vector<16xi32>
      %swap3A_453 = vector.shape_cast %add3A_445 : vector<16xi32> to vector<16xi32>
      tpu.vector_store %arg6[%swap3A_450], %swap3A_453 {strides = array<i32>} : memref<16384xi32, #tpu.memory_space<vmem>>, vector<16xi32>,
      %add3A_454 = arith.constant 16 : i32
      %add3A_455 = vector.broadcast %add3A_454 : i32 to vector<16xi32>
      %add3A_456 = arith.addi %iota3A, %add3A_455 : vector<16xi32>
      %mul3A_457 = arith.constant 1048576 : i32
      %mul3A_458 = vector.broadcast %mul3A_457 : i32 to vector<16xi32>
      %mul3A_459 = arith.muli %add3A_456, %mul3A_458 : vector<16xi32>
      %add3A_460 = vector.broadcast %squeeze3A_437 : i32 to vector<16xi32>
      %add3A_461 = arith.addi %mul3A_459, %add3A_460 : vector<16xi32>
      %mul3A_462 = arith.constant 32 : i32
      %mul3A_463 = arith.muli %add3A_435, %mul3A_462 : i32
      %add3A_464 = arith.constant 16 : i32
      %add3A_465 = arith.addi %mul3A_463, %add3A_464 : i32
      %swap3A_466 = arith.index_cast %add3A_465 : i32 to index
      %swap3A_467 = tpu.vector_load %arg6[%swap3A_466] {strides = array<i32>} : memref<16384xi32, #tpu.memory_space<vmem>>, vector<16xi32>,
      %swap3A_468 = vector.shape_cast %swap3A_467 : vector<16xi32> to vector<16xi32>
      %swap3A_469 = vector.shape_cast %add3A_461 : vector<16xi32> to vector<16xi32>
      tpu.vector_store %arg6[%swap3A_466], %swap3A_469 {strides = array<i32>} : memref<16384xi32, #tpu.memory_space<vmem>>, vector<16xi32>,
      %mul3A_470 = arith.constant 16 : i32
      %mul3A_471 = arith.muli %scan3A_12, %mul3A_470 : i32
      %add3A_472 = arith.constant 12 : i32
      %add3A_473 = arith.addi %mul3A_471, %add3A_472 : i32
      %slice3A_474 = vector.extract_strided_slice %get3A_16 {offsets = [12], sizes = [1], strides = [1]} : vector<16xi32> to vector<1xi32>
      %squeeze3A_475 = vector.extract %slice3A_474[0] : i32 from vector<1xi32>
      %add3A_476 = arith.constant 0 : i32
      %add3A_477 = vector.broadcast %add3A_476 : i32 to vector<16xi32>
      %add3A_478 = arith.addi %iota3A, %add3A_477 : vector<16xi32>
      %mul3A_479 = arith.constant 1048576 : i32
      %mul3A_480 = vector.broadcast %mul3A_479 : i32 to vector<16xi32>
      %mul3A_481 = arith.muli %add3A_478, %mul3A_480 : vector<16xi32>
      %add3A_482 = vector.broadcast %squeeze3A_475 : i32 to vector<16xi32>
      %add3A_483 = arith.addi %mul3A_481, %add3A_482 : vector<16xi32>
      %mul3A_484 = arith.constant 32 : i32
      %mul3A_485 = arith.muli %add3A_473, %mul3A_484 : i32
      %add3A_486 = arith.constant 0 : i32
      %add3A_487 = arith.addi %mul3A_485, %add3A_486 : i32
      %swap3A_488 = arith.index_cast %add3A_487 : i32 to index
      %swap3A_489 = tpu.vector_load %arg6[%swap3A_488] {strides = array<i32>} : memref<16384xi32, #tpu.memory_space<vmem>>, vector<16xi32>,
      %swap3A_490 = vector.shape_cast %swap3A_489 : vector<16xi32> to vector<16xi32>
      %swap3A_491 = vector.shape_cast %add3A_483 : vector<16xi32> to vector<16xi32>
      tpu.vector_store %arg6[%swap3A_488], %swap3A_491 {strides = array<i32>} : memref<16384xi32, #tpu.memory_space<vmem>>, vector<16xi32>,
      %add3A_492 = arith.constant 16 : i32
      %add3A_493 = vector.broadcast %add3A_492 : i32 to vector<16xi32>
      %add3A_494 = arith.addi %iota3A, %add3A_493 : vector<16xi32>
      %mul3A_495 = arith.constant 1048576 : i32
      %mul3A_496 = vector.broadcast %mul3A_495 : i32 to vector<16xi32>
      %mul3A_497 = arith.muli %add3A_494, %mul3A_496 : vector<16xi32>
      %add3A_498 = vector.broadcast %squeeze3A_475 : i32 to vector<16xi32>
      %add3A_499 = arith.addi %mul3A_497, %add3A_498 : vector<16xi32>
      %mul3A_500 = arith.constant 32 : i32
      %mul3A_501 = arith.muli %add3A_473, %mul3A_500 : i32
      %add3A_502 = arith.constant 16 : i32
      %add3A_503 = arith.addi %mul3A_501, %add3A_502 : i32
      %swap3A_504 = arith.index_cast %add3A_503 : i32 to index
      %swap3A_505 = tpu.vector_load %arg6[%swap3A_504] {strides = array<i32>} : memref<16384xi32, #tpu.memory_space<vmem>>, vector<16xi32>,
      %swap3A_506 = vector.shape_cast %swap3A_505 : vector<16xi32> to vector<16xi32>
      %swap3A_507 = vector.shape_cast %add3A_499 : vector<16xi32> to vector<16xi32>
      tpu.vector_store %arg6[%swap3A_504], %swap3A_507 {strides = array<i32>} : memref<16384xi32, #tpu.memory_space<vmem>>, vector<16xi32>,
      %mul3A_508 = arith.constant 16 : i32
      %mul3A_509 = arith.muli %scan3A_12, %mul3A_508 : i32
      %add3A_510 = arith.constant 13 : i32
      %add3A_511 = arith.addi %mul3A_509, %add3A_510 : i32
      %slice3A_512 = vector.extract_strided_slice %get3A_16 {offsets = [13], sizes = [1], strides = [1]} : vector<16xi32> to vector<1xi32>
      %squeeze3A_513 = vector.extract %slice3A_512[0] : i32 from vector<1xi32>
      %add3A_514 = arith.constant 0 : i32
      %add3A_515 = vector.broadcast %add3A_514 : i32 to vector<16xi32>
      %add3A_516 = arith.addi %iota3A, %add3A_515 : vector<16xi32>
      %mul3A_517 = arith.constant 1048576 : i32
      %mul3A_518 = vector.broadcast %mul3A_517 : i32 to vector<16xi32>
      %mul3A_519 = arith.muli %add3A_516, %mul3A_518 : vector<16xi32>
      %add3A_520 = vector.broadcast %squeeze3A_513 : i32 to vector<16xi32>
      %add3A_521 = arith.addi %mul3A_519, %add3A_520 : vector<16xi32>
      %mul3A_522 = arith.constant 32 : i32
      %mul3A_523 = arith.muli %add3A_511, %mul3A_522 : i32
      %add3A_524 = arith.constant 0 : i32
      %add3A_525 = arith.addi %mul3A_523, %add3A_524 : i32
      %swap3A_526 = arith.index_cast %add3A_525 : i32 to index
      %swap3A_527 = tpu.vector_load %arg6[%swap3A_526] {strides = array<i32>} : memref<16384xi32, #tpu.memory_space<vmem>>, vector<16xi32>,
      %swap3A_528 = vector.shape_cast %swap3A_527 : vector<16xi32> to vector<16xi32>
      %swap3A_529 = vector.shape_cast %add3A_521 : vector<16xi32> to vector<16xi32>
      tpu.vector_store %arg6[%swap3A_526], %swap3A_529 {strides = array<i32>} : memref<16384xi32, #tpu.memory_space<vmem>>, vector<16xi32>,
      %add3A_530 = arith.constant 16 : i32
      %add3A_531 = vector.broadcast %add3A_530 : i32 to vector<16xi32>
      %add3A_532 = arith.addi %iota3A, %add3A_531 : vector<16xi32>
      %mul3A_533 = arith.constant 1048576 : i32
      %mul3A_534 = vector.broadcast %mul3A_533 : i32 to vector<16xi32>
      %mul3A_535 = arith.muli %add3A_532, %mul3A_534 : vector<16xi32>
      %add3A_536 = vector.broadcast %squeeze3A_513 : i32 to vector<16xi32>
      %add3A_537 = arith.addi %mul3A_535, %add3A_536 : vector<16xi32>
      %mul3A_538 = arith.constant 32 : i32
      %mul3A_539 = arith.muli %add3A_511, %mul3A_538 : i32
      %add3A_540 = arith.constant 16 : i32
      %add3A_541 = arith.addi %mul3A_539, %add3A_540 : i32
      %swap3A_542 = arith.index_cast %add3A_541 : i32 to index
      %swap3A_543 = tpu.vector_load %arg6[%swap3A_542] {strides = array<i32>} : memref<16384xi32, #tpu.memory_space<vmem>>, vector<16xi32>,
      %swap3A_544 = vector.shape_cast %swap3A_543 : vector<16xi32> to vector<16xi32>
      %swap3A_545 = vector.shape_cast %add3A_537 : vector<16xi32> to vector<16xi32>
      tpu.vector_store %arg6[%swap3A_542], %swap3A_545 {strides = array<i32>} : memref<16384xi32, #tpu.memory_space<vmem>>, vector<16xi32>,
      %mul3A_546 = arith.constant 16 : i32
      %mul3A_547 = arith.muli %scan3A_12, %mul3A_546 : i32
      %add3A_548 = arith.constant 14 : i32
      %add3A_549 = arith.addi %mul3A_547, %add3A_548 : i32
      %slice3A_550 = vector.extract_strided_slice %get3A_16 {offsets = [14], sizes = [1], strides = [1]} : vector<16xi32> to vector<1xi32>
      %squeeze3A_551 = vector.extract %slice3A_550[0] : i32 from vector<1xi32>
      %add3A_552 = arith.constant 0 : i32
      %add3A_553 = vector.broadcast %add3A_552 : i32 to vector<16xi32>
      %add3A_554 = arith.addi %iota3A, %add3A_553 : vector<16xi32>
      %mul3A_555 = arith.constant 1048576 : i32
      %mul3A_556 = vector.broadcast %mul3A_555 : i32 to vector<16xi32>
      %mul3A_557 = arith.muli %add3A_554, %mul3A_556 : vector<16xi32>
      %add3A_558 = vector.broadcast %squeeze3A_551 : i32 to vector<16xi32>
      %add3A_559 = arith.addi %mul3A_557, %add3A_558 : vector<16xi32>
      %mul3A_560 = arith.constant 32 : i32
      %mul3A_561 = arith.muli %add3A_549, %mul3A_560 : i32
      %add3A_562 = arith.constant 0 : i32
      %add3A_563 = arith.addi %mul3A_561, %add3A_562 : i32
      %swap3A_564 = arith.index_cast %add3A_563 : i32 to index
      %swap3A_565 = tpu.vector_load %arg6[%swap3A_564] {strides = array<i32>} : memref<16384xi32, #tpu.memory_space<vmem>>, vector<16xi32>,
      %swap3A_566 = vector.shape_cast %swap3A_565 : vector<16xi32> to vector<16xi32>
      %swap3A_567 = vector.shape_cast %add3A_559 : vector<16xi32> to vector<16xi32>
      tpu.vector_store %arg6[%swap3A_564], %swap3A_567 {strides = array<i32>} : memref<16384xi32, #tpu.memory_space<vmem>>, vector<16xi32>,
      %add3A_568 = arith.constant 16 : i32
      %add3A_569 = vector.broadcast %add3A_568 : i32 to vector<16xi32>
      %add3A_570 = arith.addi %iota3A, %add3A_569 : vector<16xi32>
      %mul3A_571 = arith.constant 1048576 : i32
      %mul3A_572 = vector.broadcast %mul3A_571 : i32 to vector<16xi32>
      %mul3A_573 = arith.muli %add3A_570, %mul3A_572 : vector<16xi32>
      %add3A_574 = vector.broadcast %squeeze3A_551 : i32 to vector<16xi32>
      %add3A_575 = arith.addi %mul3A_573, %add3A_574 : vector<16xi32>
      %mul3A_576 = arith.constant 32 : i32
      %mul3A_577 = arith.muli %add3A_549, %mul3A_576 : i32
      %add3A_578 = arith.constant 16 : i32
      %add3A_579 = arith.addi %mul3A_577, %add3A_578 : i32
      %swap3A_580 = arith.index_cast %add3A_579 : i32 to index
      %swap3A_581 = tpu.vector_load %arg6[%swap3A_580] {strides = array<i32>} : memref<16384xi32, #tpu.memory_space<vmem>>, vector<16xi32>,
      %swap3A_582 = vector.shape_cast %swap3A_581 : vector<16xi32> to vector<16xi32>
      %swap3A_583 = vector.shape_cast %add3A_575 : vector<16xi32> to vector<16xi32>
      tpu.vector_store %arg6[%swap3A_580], %swap3A_583 {strides = array<i32>} : memref<16384xi32, #tpu.memory_space<vmem>>, vector<16xi32>,
      %mul3A_584 = arith.constant 16 : i32
      %mul3A_585 = arith.muli %scan3A_12, %mul3A_584 : i32
      %add3A_586 = arith.constant 15 : i32
      %add3A_587 = arith.addi %mul3A_585, %add3A_586 : i32
      %slice3A_588 = vector.extract_strided_slice %get3A_16 {offsets = [15], sizes = [1], strides = [1]} : vector<16xi32> to vector<1xi32>
      %squeeze3A_589 = vector.extract %slice3A_588[0] : i32 from vector<1xi32>
      %add3A_590 = arith.constant 0 : i32
      %add3A_591 = vector.broadcast %add3A_590 : i32 to vector<16xi32>
      %add3A_592 = arith.addi %iota3A, %add3A_591 : vector<16xi32>
      %mul3A_593 = arith.constant 1048576 : i32
      %mul3A_594 = vector.broadcast %mul3A_593 : i32 to vector<16xi32>
      %mul3A_595 = arith.muli %add3A_592, %mul3A_594 : vector<16xi32>
      %add3A_596 = vector.broadcast %squeeze3A_589 : i32 to vector<16xi32>
      %add3A_597 = arith.addi %mul3A_595, %add3A_596 : vector<16xi32>
      %mul3A_598 = arith.constant 32 : i32
      %mul3A_599 = arith.muli %add3A_587, %mul3A_598 : i32
      %add3A_600 = arith.constant 0 : i32
      %add3A_601 = arith.addi %mul3A_599, %add3A_600 : i32
      %swap3A_602 = arith.index_cast %add3A_601 : i32 to index
      %swap3A_603 = tpu.vector_load %arg6[%swap3A_602] {strides = array<i32>} : memref<16384xi32, #tpu.memory_space<vmem>>, vector<16xi32>,
      %swap3A_604 = vector.shape_cast %swap3A_603 : vector<16xi32> to vector<16xi32>
      %swap3A_605 = vector.shape_cast %add3A_597 : vector<16xi32> to vector<16xi32>
      tpu.vector_store %arg6[%swap3A_602], %swap3A_605 {strides = array<i32>} : memref<16384xi32, #tpu.memory_space<vmem>>, vector<16xi32>,
      %add3A_606 = arith.constant 16 : i32
      %add3A_607 = vector.broadcast %add3A_606 : i32 to vector<16xi32>
      %add3A_608 = arith.addi %iota3A, %add3A_607 : vector<16xi32>
      %mul3A_609 = arith.constant 1048576 : i32
      %mul3A_610 = vector.broadcast %mul3A_609 : i32 to vector<16xi32>
      %mul3A_611 = arith.muli %add3A_608, %mul3A_610 : vector<16xi32>
      %add3A_612 = vector.broadcast %squeeze3A_589 : i32 to vector<16xi32>
      %add3A_613 = arith.addi %mul3A_611, %add3A_612 : vector<16xi32>
      %mul3A_614 = arith.constant 32 : i32
      %mul3A_615 = arith.muli %add3A_587, %mul3A_614 : i32
      %add3A_616 = arith.constant 16 : i32
      %add3A_617 = arith.addi %mul3A_615, %add3A_616 : i32
      %swap3A_618 = arith.index_cast %add3A_617 : i32 to index
      %swap3A_619 = tpu.vector_load %arg6[%swap3A_618] {strides = array<i32>} : memref<16384xi32, #tpu.memory_space<vmem>>, vector<16xi32>,
      %swap3A_620 = vector.shape_cast %swap3A_619 : vector<16xi32> to vector<16xi32>
      %swap3A_621 = vector.shape_cast %add3A_613 : vector<16xi32> to vector<16xi32>
      tpu.vector_store %arg6[%swap3A_618], %swap3A_621 {strides = array<i32>} : memref<16384xi32, #tpu.memory_space<vmem>>, vector<16xi32>,
    }
    %scan3A_7 = arith.constant 32 : i32
    %dma_start3A = arith.constant 0 : i32
    %dma_start3A_8 = tpu.memref_slice %arg2[%dma_start3A] : memref<33554432xf32, #tpu.memory_space<hbm>> -> memref<33554432xf32, #tpu.memory_space<hbm>>
    tpu.enqueue_indirect_dma source(%dma_start3A_8 : memref<33554432xf32, #tpu.memory_space<hbm>>) target(%arg7 : memref<16384xf32, #tpu.memory_space<vmem>>) offsets(%arg6 : memref<16384xi32, #tpu.memory_space<vmem>>) semaphore(%arg8 : memref<!tpu.dma_semaphore, #tpu.memory_space<semaphore_mem>>)
    %dma_wait3A = arith.constant 0 : i32
    %dma_wait3A_9 = tpu.memref_slice %arg2[%dma_wait3A] : memref<33554432xf32, #tpu.memory_space<hbm>> -> memref<33554432xf32, #tpu.memory_space<hbm>>
    tpu.wait_indirect_dma semaphore(%arg8 : memref<!tpu.dma_semaphore, #tpu.memory_space<semaphore_mem>>) src(%dma_wait3A_9 : memref<33554432xf32, #tpu.memory_space<hbm>>) dst(%arg7 : memref<16384xf32, #tpu.memory_space<vmem>>)
    %mul3A_10 = arith.constant 32 : i32
    %mul3A_11 = arith.muli %mul3A_2, %mul3A_10 : i32
    "tpu.region"() ({
      %run_scoped3A = tpu.sem_alloc : memref<!tpu.dma_semaphore, #tpu.memory_space<semaphore_mem>>
      %dma_start3A_12 = tpu.memref_slice %arg4[%mul3A_11] : memref<524288xf32, #tpu.memory_space<hbm>> -> memref<16384xf32, #tpu.memory_space<hbm>>
      %dma_start3A_13 = tpu.memref_slice %arg4[%mul3A_11] : memref<524288xf32, #tpu.memory_space<hbm>> -> memref<16384xf32, #tpu.memory_space<hbm>>
      tpu.enqueue_dma source(%arg7 : memref<16384xf32, #tpu.memory_space<vmem>>) target(%dma_start3A_13 : memref<16384xf32, #tpu.memory_space<hbm>>) target_semaphore(%run_scoped3A : memref<!tpu.dma_semaphore, #tpu.memory_space<semaphore_mem>>)
      %dma_wait3A_14 = tpu.memref_slice %arg4[%mul3A_11] : memref<524288xf32, #tpu.memory_space<hbm>> -> memref<16384xf32, #tpu.memory_space<hbm>>
      %dma_wait3A_15 = tpu.memref_slice %arg4[%mul3A_11] : memref<524288xf32, #tpu.memory_space<hbm>> -> memref<16384xf32, #tpu.memory_space<hbm>>
      tpu.wait_dma2 semaphore(%run_scoped3A : memref<!tpu.dma_semaphore, #tpu.memory_space<semaphore_mem>>) src(%arg7 : memref<16384xf32, #tpu.memory_space<vmem>>) dst(%dma_wait3A_15 : memref<16384xf32, #tpu.memory_space<hbm>>)
      tpu.yield
    }) : () -> ()
    return
  }
}

module attributes {stable_mosaic.version = 14 : i64} {
  func.func @_detile_body(%arg0: i32, %arg1: i32, %arg2: memref<1x8x524288xf32, #tpu.memory_space<vmem>>, %arg3: memref<33554432xf32, #tpu.memory_space<any>>, %arg4: memref<!tpu.dma_semaphore, #tpu.memory_space<semaphore_mem>>) attributes {dimension_semantics = [#tpu.dimension_semantics<arbitrary>, #tpu.dimension_semantics<arbitrary>], iteration_bounds = array<i64: 4, 2>, scalar_prefetch = 0 : i64, scratch_operands = 1 : i64, tpu.core_type = #tpu.core_type<tc>, window_params = [{transform_indices = @transform_0, window_bounds = array<i64: 1, 8, 524288>}, {}]} {
    %mul3A = arith.constant 8 : i32
    %mul3A_0 = arith.muli %arg0, %mul3A : i32
    %add3A = arith.constant 0 : i32
    %add3A_1 = arith.addi %mul3A_0, %add3A : i32
    %mul3A_2 = arith.constant 1048576 : i32
    %mul3A_3 = arith.muli %add3A_1, %mul3A_2 : i32
    %mul3A_4 = arith.constant 524288 : i32
    %mul3A_5 = arith.muli %arg1, %mul3A_4 : i32
    %add3A_6 = arith.addi %mul3A_3, %mul3A_5 : i32
    %dma_start3A = arith.constant 0 : i32
    %dma_start3A_7 = arith.constant 0 : i32
    %dma_start3A_8 = tpu.memref_slice %arg3[%add3A_6] : memref<33554432xf32, #tpu.memory_space<any>> -> memref<524288xf32, #tpu.memory_space<any>>
    %dma_start3A_9 = arith.constant 0 : i32
    %dma_start3A_10 = tpu.memref_slice %arg2[%dma_start3A, %dma_start3A_7, %dma_start3A_9] : memref<1x8x524288xf32, #tpu.memory_space<vmem>> -> memref<1x1x524288xf32, #tpu.memory_space<vmem>>
    %dma_start3A_11 = tpu.memref_squeeze %dma_start3A_10 : memref<1x1x524288xf32, #tpu.memory_space<vmem>> -> memref<524288xf32, #tpu.memory_space<vmem>>
    tpu.enqueue_dma source(%dma_start3A_11 : memref<524288xf32, #tpu.memory_space<vmem>>) target(%dma_start3A_8 : memref<524288xf32, #tpu.memory_space<any>>) target_semaphore(%arg4 : memref<!tpu.dma_semaphore, #tpu.memory_space<semaphore_mem>>)
    %mul3A_12 = arith.constant 8 : i32
    %mul3A_13 = arith.muli %arg0, %mul3A_12 : i32
    %add3A_14 = arith.constant 1 : i32
    %add3A_15 = arith.addi %mul3A_13, %add3A_14 : i32
    %mul3A_16 = arith.constant 1048576 : i32
    %mul3A_17 = arith.muli %add3A_15, %mul3A_16 : i32
    %mul3A_18 = arith.constant 524288 : i32
    %mul3A_19 = arith.muli %arg1, %mul3A_18 : i32
    %add3A_20 = arith.addi %mul3A_17, %mul3A_19 : i32
    %dma_start3A_21 = arith.constant 0 : i32
    %dma_start3A_22 = arith.constant 1 : i32
    %dma_start3A_23 = tpu.memref_slice %arg3[%add3A_20] : memref<33554432xf32, #tpu.memory_space<any>> -> memref<524288xf32, #tpu.memory_space<any>>
    %dma_start3A_24 = arith.constant 0 : i32
    %dma_start3A_25 = tpu.memref_slice %arg2[%dma_start3A_21, %dma_start3A_22, %dma_start3A_24] : memref<1x8x524288xf32, #tpu.memory_space<vmem>> -> memref<1x1x524288xf32, #tpu.memory_space<vmem>>
    %dma_start3A_26 = tpu.memref_squeeze %dma_start3A_25 : memref<1x1x524288xf32, #tpu.memory_space<vmem>> -> memref<524288xf32, #tpu.memory_space<vmem>>
    tpu.enqueue_dma source(%dma_start3A_26 : memref<524288xf32, #tpu.memory_space<vmem>>) target(%dma_start3A_23 : memref<524288xf32, #tpu.memory_space<any>>) target_semaphore(%arg4 : memref<!tpu.dma_semaphore, #tpu.memory_space<semaphore_mem>>)
    %mul3A_27 = arith.constant 8 : i32
    %mul3A_28 = arith.muli %arg0, %mul3A_27 : i32
    %add3A_29 = arith.constant 2 : i32
    %add3A_30 = arith.addi %mul3A_28, %add3A_29 : i32
    %mul3A_31 = arith.constant 1048576 : i32
    %mul3A_32 = arith.muli %add3A_30, %mul3A_31 : i32
    %mul3A_33 = arith.constant 524288 : i32
    %mul3A_34 = arith.muli %arg1, %mul3A_33 : i32
    %add3A_35 = arith.addi %mul3A_32, %mul3A_34 : i32
    %dma_start3A_36 = arith.constant 0 : i32
    %dma_start3A_37 = arith.constant 2 : i32
    %dma_start3A_38 = tpu.memref_slice %arg3[%add3A_35] : memref<33554432xf32, #tpu.memory_space<any>> -> memref<524288xf32, #tpu.memory_space<any>>
    %dma_start3A_39 = arith.constant 0 : i32
    %dma_start3A_40 = tpu.memref_slice %arg2[%dma_start3A_36, %dma_start3A_37, %dma_start3A_39] : memref<1x8x524288xf32, #tpu.memory_space<vmem>> -> memref<1x1x524288xf32, #tpu.memory_space<vmem>>
    %dma_start3A_41 = tpu.memref_squeeze %dma_start3A_40 : memref<1x1x524288xf32, #tpu.memory_space<vmem>> -> memref<524288xf32, #tpu.memory_space<vmem>>
    tpu.enqueue_dma source(%dma_start3A_41 : memref<524288xf32, #tpu.memory_space<vmem>>) target(%dma_start3A_38 : memref<524288xf32, #tpu.memory_space<any>>) target_semaphore(%arg4 : memref<!tpu.dma_semaphore, #tpu.memory_space<semaphore_mem>>)
    %mul3A_42 = arith.constant 8 : i32
    %mul3A_43 = arith.muli %arg0, %mul3A_42 : i32
    %add3A_44 = arith.constant 3 : i32
    %add3A_45 = arith.addi %mul3A_43, %add3A_44 : i32
    %mul3A_46 = arith.constant 1048576 : i32
    %mul3A_47 = arith.muli %add3A_45, %mul3A_46 : i32
    %mul3A_48 = arith.constant 524288 : i32
    %mul3A_49 = arith.muli %arg1, %mul3A_48 : i32
    %add3A_50 = arith.addi %mul3A_47, %mul3A_49 : i32
    %dma_start3A_51 = arith.constant 0 : i32
    %dma_start3A_52 = arith.constant 3 : i32
    %dma_start3A_53 = tpu.memref_slice %arg3[%add3A_50] : memref<33554432xf32, #tpu.memory_space<any>> -> memref<524288xf32, #tpu.memory_space<any>>
    %dma_start3A_54 = arith.constant 0 : i32
    %dma_start3A_55 = tpu.memref_slice %arg2[%dma_start3A_51, %dma_start3A_52, %dma_start3A_54] : memref<1x8x524288xf32, #tpu.memory_space<vmem>> -> memref<1x1x524288xf32, #tpu.memory_space<vmem>>
    %dma_start3A_56 = tpu.memref_squeeze %dma_start3A_55 : memref<1x1x524288xf32, #tpu.memory_space<vmem>> -> memref<524288xf32, #tpu.memory_space<vmem>>
    tpu.enqueue_dma source(%dma_start3A_56 : memref<524288xf32, #tpu.memory_space<vmem>>) target(%dma_start3A_53 : memref<524288xf32, #tpu.memory_space<any>>) target_semaphore(%arg4 : memref<!tpu.dma_semaphore, #tpu.memory_space<semaphore_mem>>)
    %mul3A_57 = arith.constant 8 : i32
    %mul3A_58 = arith.muli %arg0, %mul3A_57 : i32
    %add3A_59 = arith.constant 4 : i32
    %add3A_60 = arith.addi %mul3A_58, %add3A_59 : i32
    %mul3A_61 = arith.constant 1048576 : i32
    %mul3A_62 = arith.muli %add3A_60, %mul3A_61 : i32
    %mul3A_63 = arith.constant 524288 : i32
    %mul3A_64 = arith.muli %arg1, %mul3A_63 : i32
    %add3A_65 = arith.addi %mul3A_62, %mul3A_64 : i32
    %dma_start3A_66 = arith.constant 0 : i32
    %dma_start3A_67 = arith.constant 4 : i32
    %dma_start3A_68 = tpu.memref_slice %arg3[%add3A_65] : memref<33554432xf32, #tpu.memory_space<any>> -> memref<524288xf32, #tpu.memory_space<any>>
    %dma_start3A_69 = arith.constant 0 : i32
    %dma_start3A_70 = tpu.memref_slice %arg2[%dma_start3A_66, %dma_start3A_67, %dma_start3A_69] : memref<1x8x524288xf32, #tpu.memory_space<vmem>> -> memref<1x1x524288xf32, #tpu.memory_space<vmem>>
    %dma_start3A_71 = tpu.memref_squeeze %dma_start3A_70 : memref<1x1x524288xf32, #tpu.memory_space<vmem>> -> memref<524288xf32, #tpu.memory_space<vmem>>
    tpu.enqueue_dma source(%dma_start3A_71 : memref<524288xf32, #tpu.memory_space<vmem>>) target(%dma_start3A_68 : memref<524288xf32, #tpu.memory_space<any>>) target_semaphore(%arg4 : memref<!tpu.dma_semaphore, #tpu.memory_space<semaphore_mem>>)
    %mul3A_72 = arith.constant 8 : i32
    %mul3A_73 = arith.muli %arg0, %mul3A_72 : i32
    %add3A_74 = arith.constant 5 : i32
    %add3A_75 = arith.addi %mul3A_73, %add3A_74 : i32
    %mul3A_76 = arith.constant 1048576 : i32
    %mul3A_77 = arith.muli %add3A_75, %mul3A_76 : i32
    %mul3A_78 = arith.constant 524288 : i32
    %mul3A_79 = arith.muli %arg1, %mul3A_78 : i32
    %add3A_80 = arith.addi %mul3A_77, %mul3A_79 : i32
    %dma_start3A_81 = arith.constant 0 : i32
    %dma_start3A_82 = arith.constant 5 : i32
    %dma_start3A_83 = tpu.memref_slice %arg3[%add3A_80] : memref<33554432xf32, #tpu.memory_space<any>> -> memref<524288xf32, #tpu.memory_space<any>>
    %dma_start3A_84 = arith.constant 0 : i32
    %dma_start3A_85 = tpu.memref_slice %arg2[%dma_start3A_81, %dma_start3A_82, %dma_start3A_84] : memref<1x8x524288xf32, #tpu.memory_space<vmem>> -> memref<1x1x524288xf32, #tpu.memory_space<vmem>>
    %dma_start3A_86 = tpu.memref_squeeze %dma_start3A_85 : memref<1x1x524288xf32, #tpu.memory_space<vmem>> -> memref<524288xf32, #tpu.memory_space<vmem>>
    tpu.enqueue_dma source(%dma_start3A_86 : memref<524288xf32, #tpu.memory_space<vmem>>) target(%dma_start3A_83 : memref<524288xf32, #tpu.memory_space<any>>) target_semaphore(%arg4 : memref<!tpu.dma_semaphore, #tpu.memory_space<semaphore_mem>>)
    %mul3A_87 = arith.constant 8 : i32
    %mul3A_88 = arith.muli %arg0, %mul3A_87 : i32
    %add3A_89 = arith.constant 6 : i32
    %add3A_90 = arith.addi %mul3A_88, %add3A_89 : i32
    %mul3A_91 = arith.constant 1048576 : i32
    %mul3A_92 = arith.muli %add3A_90, %mul3A_91 : i32
    %mul3A_93 = arith.constant 524288 : i32
    %mul3A_94 = arith.muli %arg1, %mul3A_93 : i32
    %add3A_95 = arith.addi %mul3A_92, %mul3A_94 : i32
    %dma_start3A_96 = arith.constant 0 : i32
    %dma_start3A_97 = arith.constant 6 : i32
    %dma_start3A_98 = tpu.memref_slice %arg3[%add3A_95] : memref<33554432xf32, #tpu.memory_space<any>> -> memref<524288xf32, #tpu.memory_space<any>>
    %dma_start3A_99 = arith.constant 0 : i32
    %dma_start3A_100 = tpu.memref_slice %arg2[%dma_start3A_96, %dma_start3A_97, %dma_start3A_99] : memref<1x8x524288xf32, #tpu.memory_space<vmem>> -> memref<1x1x524288xf32, #tpu.memory_space<vmem>>
    %dma_start3A_101 = tpu.memref_squeeze %dma_start3A_100 : memref<1x1x524288xf32, #tpu.memory_space<vmem>> -> memref<524288xf32, #tpu.memory_space<vmem>>
    tpu.enqueue_dma source(%dma_start3A_101 : memref<524288xf32, #tpu.memory_space<vmem>>) target(%dma_start3A_98 : memref<524288xf32, #tpu.memory_space<any>>) target_semaphore(%arg4 : memref<!tpu.dma_semaphore, #tpu.memory_space<semaphore_mem>>)
    %mul3A_102 = arith.constant 8 : i32
    %mul3A_103 = arith.muli %arg0, %mul3A_102 : i32
    %add3A_104 = arith.constant 7 : i32
    %add3A_105 = arith.addi %mul3A_103, %add3A_104 : i32
    %mul3A_106 = arith.constant 1048576 : i32
    %mul3A_107 = arith.muli %add3A_105, %mul3A_106 : i32
    %mul3A_108 = arith.constant 524288 : i32
    %mul3A_109 = arith.muli %arg1, %mul3A_108 : i32
    %add3A_110 = arith.addi %mul3A_107, %mul3A_109 : i32
    %dma_start3A_111 = arith.constant 0 : i32
    %dma_start3A_112 = arith.constant 7 : i32
    %dma_start3A_113 = tpu.memref_slice %arg3[%add3A_110] : memref<33554432xf32, #tpu.memory_space<any>> -> memref<524288xf32, #tpu.memory_space<any>>
    %dma_start3A_114 = arith.constant 0 : i32
    %dma_start3A_115 = tpu.memref_slice %arg2[%dma_start3A_111, %dma_start3A_112, %dma_start3A_114] : memref<1x8x524288xf32, #tpu.memory_space<vmem>> -> memref<1x1x524288xf32, #tpu.memory_space<vmem>>
    %dma_start3A_116 = tpu.memref_squeeze %dma_start3A_115 : memref<1x1x524288xf32, #tpu.memory_space<vmem>> -> memref<524288xf32, #tpu.memory_space<vmem>>
    tpu.enqueue_dma source(%dma_start3A_116 : memref<524288xf32, #tpu.memory_space<vmem>>) target(%dma_start3A_113 : memref<524288xf32, #tpu.memory_space<any>>) target_semaphore(%arg4 : memref<!tpu.dma_semaphore, #tpu.memory_space<semaphore_mem>>)
    %dma_wait3A = arith.constant 0 : i32
    %dma_wait3A_117 = arith.constant 0 : i32
    %dma_wait3A_118 = arith.constant 0 : i32
    %dma_wait3A_119 = tpu.memref_slice %arg3[%dma_wait3A_118] : memref<33554432xf32, #tpu.memory_space<any>> -> memref<524288xf32, #tpu.memory_space<any>>
    %dma_wait3A_120 = arith.constant 0 : i32
    %dma_wait3A_121 = tpu.memref_slice %arg2[%dma_wait3A, %dma_wait3A_117, %dma_wait3A_120] : memref<1x8x524288xf32, #tpu.memory_space<vmem>> -> memref<1x1x524288xf32, #tpu.memory_space<vmem>>
    %dma_wait3A_122 = tpu.memref_squeeze %dma_wait3A_121 : memref<1x1x524288xf32, #tpu.memory_space<vmem>> -> memref<524288xf32, #tpu.memory_space<vmem>>
    tpu.wait_dma2 semaphore(%arg4 : memref<!tpu.dma_semaphore, #tpu.memory_space<semaphore_mem>>) src(%dma_wait3A_122 : memref<524288xf32, #tpu.memory_space<vmem>>) dst(%dma_wait3A_119 : memref<524288xf32, #tpu.memory_space<any>>)
    %dma_wait3A_123 = arith.constant 0 : i32
    %dma_wait3A_124 = arith.constant 0 : i32
    %dma_wait3A_125 = arith.constant 0 : i32
    %dma_wait3A_126 = tpu.memref_slice %arg3[%dma_wait3A_125] : memref<33554432xf32, #tpu.memory_space<any>> -> memref<524288xf32, #tpu.memory_space<any>>
    %dma_wait3A_127 = arith.constant 0 : i32
    %dma_wait3A_128 = tpu.memref_slice %arg2[%dma_wait3A_123, %dma_wait3A_124, %dma_wait3A_127] : memref<1x8x524288xf32, #tpu.memory_space<vmem>> -> memref<1x1x524288xf32, #tpu.memory_space<vmem>>
    %dma_wait3A_129 = tpu.memref_squeeze %dma_wait3A_128 : memref<1x1x524288xf32, #tpu.memory_space<vmem>> -> memref<524288xf32, #tpu.memory_space<vmem>>
    tpu.wait_dma2 semaphore(%arg4 : memref<!tpu.dma_semaphore, #tpu.memory_space<semaphore_mem>>) src(%dma_wait3A_129 : memref<524288xf32, #tpu.memory_space<vmem>>) dst(%dma_wait3A_126 : memref<524288xf32, #tpu.memory_space<any>>)
    %dma_wait3A_130 = arith.constant 0 : i32
    %dma_wait3A_131 = arith.constant 0 : i32
    %dma_wait3A_132 = arith.constant 0 : i32
    %dma_wait3A_133 = tpu.memref_slice %arg3[%dma_wait3A_132] : memref<33554432xf32, #tpu.memory_space<any>> -> memref<524288xf32, #tpu.memory_space<any>>
    %dma_wait3A_134 = arith.constant 0 : i32
    %dma_wait3A_135 = tpu.memref_slice %arg2[%dma_wait3A_130, %dma_wait3A_131, %dma_wait3A_134] : memref<1x8x524288xf32, #tpu.memory_space<vmem>> -> memref<1x1x524288xf32, #tpu.memory_space<vmem>>
    %dma_wait3A_136 = tpu.memref_squeeze %dma_wait3A_135 : memref<1x1x524288xf32, #tpu.memory_space<vmem>> -> memref<524288xf32, #tpu.memory_space<vmem>>
    tpu.wait_dma2 semaphore(%arg4 : memref<!tpu.dma_semaphore, #tpu.memory_space<semaphore_mem>>) src(%dma_wait3A_136 : memref<524288xf32, #tpu.memory_space<vmem>>) dst(%dma_wait3A_133 : memref<524288xf32, #tpu.memory_space<any>>)
    %dma_wait3A_137 = arith.constant 0 : i32
    %dma_wait3A_138 = arith.constant 0 : i32
    %dma_wait3A_139 = arith.constant 0 : i32
    %dma_wait3A_140 = tpu.memref_slice %arg3[%dma_wait3A_139] : memref<33554432xf32, #tpu.memory_space<any>> -> memref<524288xf32, #tpu.memory_space<any>>
    %dma_wait3A_141 = arith.constant 0 : i32
    %dma_wait3A_142 = tpu.memref_slice %arg2[%dma_wait3A_137, %dma_wait3A_138, %dma_wait3A_141] : memref<1x8x524288xf32, #tpu.memory_space<vmem>> -> memref<1x1x524288xf32, #tpu.memory_space<vmem>>
    %dma_wait3A_143 = tpu.memref_squeeze %dma_wait3A_142 : memref<1x1x524288xf32, #tpu.memory_space<vmem>> -> memref<524288xf32, #tpu.memory_space<vmem>>
    tpu.wait_dma2 semaphore(%arg4 : memref<!tpu.dma_semaphore, #tpu.memory_space<semaphore_mem>>) src(%dma_wait3A_143 : memref<524288xf32, #tpu.memory_space<vmem>>) dst(%dma_wait3A_140 : memref<524288xf32, #tpu.memory_space<any>>)
    %dma_wait3A_144 = arith.constant 0 : i32
    %dma_wait3A_145 = arith.constant 0 : i32
    %dma_wait3A_146 = arith.constant 0 : i32
    %dma_wait3A_147 = tpu.memref_slice %arg3[%dma_wait3A_146] : memref<33554432xf32, #tpu.memory_space<any>> -> memref<524288xf32, #tpu.memory_space<any>>
    %dma_wait3A_148 = arith.constant 0 : i32
    %dma_wait3A_149 = tpu.memref_slice %arg2[%dma_wait3A_144, %dma_wait3A_145, %dma_wait3A_148] : memref<1x8x524288xf32, #tpu.memory_space<vmem>> -> memref<1x1x524288xf32, #tpu.memory_space<vmem>>
    %dma_wait3A_150 = tpu.memref_squeeze %dma_wait3A_149 : memref<1x1x524288xf32, #tpu.memory_space<vmem>> -> memref<524288xf32, #tpu.memory_space<vmem>>
    tpu.wait_dma2 semaphore(%arg4 : memref<!tpu.dma_semaphore, #tpu.memory_space<semaphore_mem>>) src(%dma_wait3A_150 : memref<524288xf32, #tpu.memory_space<vmem>>) dst(%dma_wait3A_147 : memref<524288xf32, #tpu.memory_space<any>>)
    %dma_wait3A_151 = arith.constant 0 : i32
    %dma_wait3A_152 = arith.constant 0 : i32
    %dma_wait3A_153 = arith.constant 0 : i32
    %dma_wait3A_154 = tpu.memref_slice %arg3[%dma_wait3A_153] : memref<33554432xf32, #tpu.memory_space<any>> -> memref<524288xf32, #tpu.memory_space<any>>
    %dma_wait3A_155 = arith.constant 0 : i32
    %dma_wait3A_156 = tpu.memref_slice %arg2[%dma_wait3A_151, %dma_wait3A_152, %dma_wait3A_155] : memref<1x8x524288xf32, #tpu.memory_space<vmem>> -> memref<1x1x524288xf32, #tpu.memory_space<vmem>>
    %dma_wait3A_157 = tpu.memref_squeeze %dma_wait3A_156 : memref<1x1x524288xf32, #tpu.memory_space<vmem>> -> memref<524288xf32, #tpu.memory_space<vmem>>
    tpu.wait_dma2 semaphore(%arg4 : memref<!tpu.dma_semaphore, #tpu.memory_space<semaphore_mem>>) src(%dma_wait3A_157 : memref<524288xf32, #tpu.memory_space<vmem>>) dst(%dma_wait3A_154 : memref<524288xf32, #tpu.memory_space<any>>)
    %dma_wait3A_158 = arith.constant 0 : i32
    %dma_wait3A_159 = arith.constant 0 : i32
    %dma_wait3A_160 = arith.constant 0 : i32
    %dma_wait3A_161 = tpu.memref_slice %arg3[%dma_wait3A_160] : memref<33554432xf32, #tpu.memory_space<any>> -> memref<524288xf32, #tpu.memory_space<any>>
    %dma_wait3A_162 = arith.constant 0 : i32
    %dma_wait3A_163 = tpu.memref_slice %arg2[%dma_wait3A_158, %dma_wait3A_159, %dma_wait3A_162] : memref<1x8x524288xf32, #tpu.memory_space<vmem>> -> memref<1x1x524288xf32, #tpu.memory_space<vmem>>
    %dma_wait3A_164 = tpu.memref_squeeze %dma_wait3A_163 : memref<1x1x524288xf32, #tpu.memory_space<vmem>> -> memref<524288xf32, #tpu.memory_space<vmem>>
    tpu.wait_dma2 semaphore(%arg4 : memref<!tpu.dma_semaphore, #tpu.memory_space<semaphore_mem>>) src(%dma_wait3A_164 : memref<524288xf32, #tpu.memory_space<vmem>>) dst(%dma_wait3A_161 : memref<524288xf32, #tpu.memory_space<any>>)
    %dma_wait3A_165 = arith.constant 0 : i32
    %dma_wait3A_166 = arith.constant 0 : i32
    %dma_wait3A_167 = arith.constant 0 : i32
    %dma_wait3A_168 = tpu.memref_slice %arg3[%dma_wait3A_167] : memref<33554432xf32, #tpu.memory_space<any>> -> memref<524288xf32, #tpu.memory_space<any>>
    %dma_wait3A_169 = arith.constant 0 : i32
    %dma_wait3A_170 = tpu.memref_slice %arg2[%dma_wait3A_165, %dma_wait3A_166, %dma_wait3A_169] : memref<1x8x524288xf32, #tpu.memory_space<vmem>> -> memref<1x1x524288xf32, #tpu.memory_space<vmem>>
    %dma_wait3A_171 = tpu.memref_squeeze %dma_wait3A_170 : memref<1x1x524288xf32, #tpu.memory_space<vmem>> -> memref<524288xf32, #tpu.memory_space<vmem>>
    tpu.wait_dma2 semaphore(%arg4 : memref<!tpu.dma_semaphore, #tpu.memory_space<semaphore_mem>>) src(%dma_wait3A_171 : memref<524288xf32, #tpu.memory_space<vmem>>) dst(%dma_wait3A_168 : memref<524288xf32, #tpu.memory_space<any>>)
    return
  }
  func.func @transform_0(%arg0: i32, %arg1: i32) -> (i32, i32, i32) {
    %add3A = arith.constant 0 : i32
    %add3A_0 = arith.addi %arg0, %add3A : i32
    %c0_i32 = arith.constant 0 : i32
    %c0_i32_1 = arith.constant 0 : i32
    return %add3A_0, %c0_i32, %arg1 : i32, i32, i32
  }
}

module attributes {stable_mosaic.version = 14 : i64} {
  func.func @_detile_body(%arg0: i32, %arg1: i32, %arg2: memref<1x8x524288xf32, #tpu.memory_space<vmem>>, %arg3: memref<33554432xf32, #tpu.memory_space<any>>, %arg4: memref<!tpu.dma_semaphore, #tpu.memory_space<semaphore_mem>>) attributes {dimension_semantics = [#tpu.dimension_semantics<arbitrary>, #tpu.dimension_semantics<arbitrary>], iteration_bounds = array<i64: 4, 2>, scalar_prefetch = 0 : i64, scratch_operands = 1 : i64, tpu.core_type = #tpu.core_type<tc>, window_params = [{transform_indices = @transform_0, window_bounds = array<i64: 1, 8, 524288>}, {}]} {
    %mul3A = arith.constant 8 : i32
    %mul3A_0 = arith.muli %arg0, %mul3A : i32
    %add3A = arith.constant 0 : i32
    %add3A_1 = arith.addi %mul3A_0, %add3A : i32
    %mul3A_2 = arith.constant 1048576 : i32
    %mul3A_3 = arith.muli %add3A_1, %mul3A_2 : i32
    %mul3A_4 = arith.constant 524288 : i32
    %mul3A_5 = arith.muli %arg1, %mul3A_4 : i32
    %add3A_6 = arith.addi %mul3A_3, %mul3A_5 : i32
    %dma_start3A = arith.constant 0 : i32
    %dma_start3A_7 = arith.constant 0 : i32
    %dma_start3A_8 = tpu.memref_slice %arg3[%add3A_6] : memref<33554432xf32, #tpu.memory_space<any>> -> memref<524288xf32, #tpu.memory_space<any>>
    %dma_start3A_9 = arith.constant 0 : i32
    %dma_start3A_10 = tpu.memref_slice %arg2[%dma_start3A, %dma_start3A_7, %dma_start3A_9] : memref<1x8x524288xf32, #tpu.memory_space<vmem>> -> memref<1x1x524288xf32, #tpu.memory_space<vmem>>
    %dma_start3A_11 = tpu.memref_squeeze %dma_start3A_10 : memref<1x1x524288xf32, #tpu.memory_space<vmem>> -> memref<524288xf32, #tpu.memory_space<vmem>>
    tpu.enqueue_dma source(%dma_start3A_11 : memref<524288xf32, #tpu.memory_space<vmem>>) target(%dma_start3A_8 : memref<524288xf32, #tpu.memory_space<any>>) target_semaphore(%arg4 : memref<!tpu.dma_semaphore, #tpu.memory_space<semaphore_mem>>)
    %mul3A_12 = arith.constant 8 : i32
    %mul3A_13 = arith.muli %arg0, %mul3A_12 : i32
    %add3A_14 = arith.constant 1 : i32
    %add3A_15 = arith.addi %mul3A_13, %add3A_14 : i32
    %mul3A_16 = arith.constant 1048576 : i32
    %mul3A_17 = arith.muli %add3A_15, %mul3A_16 : i32
    %mul3A_18 = arith.constant 524288 : i32
    %mul3A_19 = arith.muli %arg1, %mul3A_18 : i32
    %add3A_20 = arith.addi %mul3A_17, %mul3A_19 : i32
    %dma_start3A_21 = arith.constant 0 : i32
    %dma_start3A_22 = arith.constant 1 : i32
    %dma_start3A_23 = tpu.memref_slice %arg3[%add3A_20] : memref<33554432xf32, #tpu.memory_space<any>> -> memref<524288xf32, #tpu.memory_space<any>>
    %dma_start3A_24 = arith.constant 0 : i32
    %dma_start3A_25 = tpu.memref_slice %arg2[%dma_start3A_21, %dma_start3A_22, %dma_start3A_24] : memref<1x8x524288xf32, #tpu.memory_space<vmem>> -> memref<1x1x524288xf32, #tpu.memory_space<vmem>>
    %dma_start3A_26 = tpu.memref_squeeze %dma_start3A_25 : memref<1x1x524288xf32, #tpu.memory_space<vmem>> -> memref<524288xf32, #tpu.memory_space<vmem>>
    tpu.enqueue_dma source(%dma_start3A_26 : memref<524288xf32, #tpu.memory_space<vmem>>) target(%dma_start3A_23 : memref<524288xf32, #tpu.memory_space<any>>) target_semaphore(%arg4 : memref<!tpu.dma_semaphore, #tpu.memory_space<semaphore_mem>>)
    %mul3A_27 = arith.constant 8 : i32
    %mul3A_28 = arith.muli %arg0, %mul3A_27 : i32
    %add3A_29 = arith.constant 2 : i32
    %add3A_30 = arith.addi %mul3A_28, %add3A_29 : i32
    %mul3A_31 = arith.constant 1048576 : i32
    %mul3A_32 = arith.muli %add3A_30, %mul3A_31 : i32
    %mul3A_33 = arith.constant 524288 : i32
    %mul3A_34 = arith.muli %arg1, %mul3A_33 : i32
    %add3A_35 = arith.addi %mul3A_32, %mul3A_34 : i32
    %dma_start3A_36 = arith.constant 0 : i32
    %dma_start3A_37 = arith.constant 2 : i32
    %dma_start3A_38 = tpu.memref_slice %arg3[%add3A_35] : memref<33554432xf32, #tpu.memory_space<any>> -> memref<524288xf32, #tpu.memory_space<any>>
    %dma_start3A_39 = arith.constant 0 : i32
    %dma_start3A_40 = tpu.memref_slice %arg2[%dma_start3A_36, %dma_start3A_37, %dma_start3A_39] : memref<1x8x524288xf32, #tpu.memory_space<vmem>> -> memref<1x1x524288xf32, #tpu.memory_space<vmem>>
    %dma_start3A_41 = tpu.memref_squeeze %dma_start3A_40 : memref<1x1x524288xf32, #tpu.memory_space<vmem>> -> memref<524288xf32, #tpu.memory_space<vmem>>
    tpu.enqueue_dma source(%dma_start3A_41 : memref<524288xf32, #tpu.memory_space<vmem>>) target(%dma_start3A_38 : memref<524288xf32, #tpu.memory_space<any>>) target_semaphore(%arg4 : memref<!tpu.dma_semaphore, #tpu.memory_space<semaphore_mem>>)
    %mul3A_42 = arith.constant 8 : i32
    %mul3A_43 = arith.muli %arg0, %mul3A_42 : i32
    %add3A_44 = arith.constant 3 : i32
    %add3A_45 = arith.addi %mul3A_43, %add3A_44 : i32
    %mul3A_46 = arith.constant 1048576 : i32
    %mul3A_47 = arith.muli %add3A_45, %mul3A_46 : i32
    %mul3A_48 = arith.constant 524288 : i32
    %mul3A_49 = arith.muli %arg1, %mul3A_48 : i32
    %add3A_50 = arith.addi %mul3A_47, %mul3A_49 : i32
    %dma_start3A_51 = arith.constant 0 : i32
    %dma_start3A_52 = arith.constant 3 : i32
    %dma_start3A_53 = tpu.memref_slice %arg3[%add3A_50] : memref<33554432xf32, #tpu.memory_space<any>> -> memref<524288xf32, #tpu.memory_space<any>>
    %dma_start3A_54 = arith.constant 0 : i32
    %dma_start3A_55 = tpu.memref_slice %arg2[%dma_start3A_51, %dma_start3A_52, %dma_start3A_54] : memref<1x8x524288xf32, #tpu.memory_space<vmem>> -> memref<1x1x524288xf32, #tpu.memory_space<vmem>>
    %dma_start3A_56 = tpu.memref_squeeze %dma_start3A_55 : memref<1x1x524288xf32, #tpu.memory_space<vmem>> -> memref<524288xf32, #tpu.memory_space<vmem>>
    tpu.enqueue_dma source(%dma_start3A_56 : memref<524288xf32, #tpu.memory_space<vmem>>) target(%dma_start3A_53 : memref<524288xf32, #tpu.memory_space<any>>) target_semaphore(%arg4 : memref<!tpu.dma_semaphore, #tpu.memory_space<semaphore_mem>>)
    %mul3A_57 = arith.constant 8 : i32
    %mul3A_58 = arith.muli %arg0, %mul3A_57 : i32
    %add3A_59 = arith.constant 4 : i32
    %add3A_60 = arith.addi %mul3A_58, %add3A_59 : i32
    %mul3A_61 = arith.constant 1048576 : i32
    %mul3A_62 = arith.muli %add3A_60, %mul3A_61 : i32
    %mul3A_63 = arith.constant 524288 : i32
    %mul3A_64 = arith.muli %arg1, %mul3A_63 : i32
    %add3A_65 = arith.addi %mul3A_62, %mul3A_64 : i32
    %dma_start3A_66 = arith.constant 0 : i32
    %dma_start3A_67 = arith.constant 4 : i32
    %dma_start3A_68 = tpu.memref_slice %arg3[%add3A_65] : memref<33554432xf32, #tpu.memory_space<any>> -> memref<524288xf32, #tpu.memory_space<any>>
    %dma_start3A_69 = arith.constant 0 : i32
    %dma_start3A_70 = tpu.memref_slice %arg2[%dma_start3A_66, %dma_start3A_67, %dma_start3A_69] : memref<1x8x524288xf32, #tpu.memory_space<vmem>> -> memref<1x1x524288xf32, #tpu.memory_space<vmem>>
    %dma_start3A_71 = tpu.memref_squeeze %dma_start3A_70 : memref<1x1x524288xf32, #tpu.memory_space<vmem>> -> memref<524288xf32, #tpu.memory_space<vmem>>
    tpu.enqueue_dma source(%dma_start3A_71 : memref<524288xf32, #tpu.memory_space<vmem>>) target(%dma_start3A_68 : memref<524288xf32, #tpu.memory_space<any>>) target_semaphore(%arg4 : memref<!tpu.dma_semaphore, #tpu.memory_space<semaphore_mem>>)
    %mul3A_72 = arith.constant 8 : i32
    %mul3A_73 = arith.muli %arg0, %mul3A_72 : i32
    %add3A_74 = arith.constant 5 : i32
    %add3A_75 = arith.addi %mul3A_73, %add3A_74 : i32
    %mul3A_76 = arith.constant 1048576 : i32
    %mul3A_77 = arith.muli %add3A_75, %mul3A_76 : i32
    %mul3A_78 = arith.constant 524288 : i32
    %mul3A_79 = arith.muli %arg1, %mul3A_78 : i32
    %add3A_80 = arith.addi %mul3A_77, %mul3A_79 : i32
    %dma_start3A_81 = arith.constant 0 : i32
    %dma_start3A_82 = arith.constant 5 : i32
    %dma_start3A_83 = tpu.memref_slice %arg3[%add3A_80] : memref<33554432xf32, #tpu.memory_space<any>> -> memref<524288xf32, #tpu.memory_space<any>>
    %dma_start3A_84 = arith.constant 0 : i32
    %dma_start3A_85 = tpu.memref_slice %arg2[%dma_start3A_81, %dma_start3A_82, %dma_start3A_84] : memref<1x8x524288xf32, #tpu.memory_space<vmem>> -> memref<1x1x524288xf32, #tpu.memory_space<vmem>>
    %dma_start3A_86 = tpu.memref_squeeze %dma_start3A_85 : memref<1x1x524288xf32, #tpu.memory_space<vmem>> -> memref<524288xf32, #tpu.memory_space<vmem>>
    tpu.enqueue_dma source(%dma_start3A_86 : memref<524288xf32, #tpu.memory_space<vmem>>) target(%dma_start3A_83 : memref<524288xf32, #tpu.memory_space<any>>) target_semaphore(%arg4 : memref<!tpu.dma_semaphore, #tpu.memory_space<semaphore_mem>>)
    %mul3A_87 = arith.constant 8 : i32
    %mul3A_88 = arith.muli %arg0, %mul3A_87 : i32
    %add3A_89 = arith.constant 6 : i32
    %add3A_90 = arith.addi %mul3A_88, %add3A_89 : i32
    %mul3A_91 = arith.constant 1048576 : i32
    %mul3A_92 = arith.muli %add3A_90, %mul3A_91 : i32
    %mul3A_93 = arith.constant 524288 : i32
    %mul3A_94 = arith.muli %arg1, %mul3A_93 : i32
    %add3A_95 = arith.addi %mul3A_92, %mul3A_94 : i32
    %dma_start3A_96 = arith.constant 0 : i32
    %dma_start3A_97 = arith.constant 6 : i32
    %dma_start3A_98 = tpu.memref_slice %arg3[%add3A_95] : memref<33554432xf32, #tpu.memory_space<any>> -> memref<524288xf32, #tpu.memory_space<any>>
    %dma_start3A_99 = arith.constant 0 : i32
    %dma_start3A_100 = tpu.memref_slice %arg2[%dma_start3A_96, %dma_start3A_97, %dma_start3A_99] : memref<1x8x524288xf32, #tpu.memory_space<vmem>> -> memref<1x1x524288xf32, #tpu.memory_space<vmem>>
    %dma_start3A_101 = tpu.memref_squeeze %dma_start3A_100 : memref<1x1x524288xf32, #tpu.memory_space<vmem>> -> memref<524288xf32, #tpu.memory_space<vmem>>
    tpu.enqueue_dma source(%dma_start3A_101 : memref<524288xf32, #tpu.memory_space<vmem>>) target(%dma_start3A_98 : memref<524288xf32, #tpu.memory_space<any>>) target_semaphore(%arg4 : memref<!tpu.dma_semaphore, #tpu.memory_space<semaphore_mem>>)
    %mul3A_102 = arith.constant 8 : i32
    %mul3A_103 = arith.muli %arg0, %mul3A_102 : i32
    %add3A_104 = arith.constant 7 : i32
    %add3A_105 = arith.addi %mul3A_103, %add3A_104 : i32
    %mul3A_106 = arith.constant 1048576 : i32
    %mul3A_107 = arith.muli %add3A_105, %mul3A_106 : i32
    %mul3A_108 = arith.constant 524288 : i32
    %mul3A_109 = arith.muli %arg1, %mul3A_108 : i32
    %add3A_110 = arith.addi %mul3A_107, %mul3A_109 : i32
    %dma_start3A_111 = arith.constant 0 : i32
    %dma_start3A_112 = arith.constant 7 : i32
    %dma_start3A_113 = tpu.memref_slice %arg3[%add3A_110] : memref<33554432xf32, #tpu.memory_space<any>> -> memref<524288xf32, #tpu.memory_space<any>>
    %dma_start3A_114 = arith.constant 0 : i32
    %dma_start3A_115 = tpu.memref_slice %arg2[%dma_start3A_111, %dma_start3A_112, %dma_start3A_114] : memref<1x8x524288xf32, #tpu.memory_space<vmem>> -> memref<1x1x524288xf32, #tpu.memory_space<vmem>>
    %dma_start3A_116 = tpu.memref_squeeze %dma_start3A_115 : memref<1x1x524288xf32, #tpu.memory_space<vmem>> -> memref<524288xf32, #tpu.memory_space<vmem>>
    tpu.enqueue_dma source(%dma_start3A_116 : memref<524288xf32, #tpu.memory_space<vmem>>) target(%dma_start3A_113 : memref<524288xf32, #tpu.memory_space<any>>) target_semaphore(%arg4 : memref<!tpu.dma_semaphore, #tpu.memory_space<semaphore_mem>>)
    %dma_wait3A = arith.constant 0 : i32
    %dma_wait3A_117 = arith.constant 0 : i32
    %dma_wait3A_118 = arith.constant 0 : i32
    %dma_wait3A_119 = tpu.memref_slice %arg3[%dma_wait3A_118] : memref<33554432xf32, #tpu.memory_space<any>> -> memref<524288xf32, #tpu.memory_space<any>>
    %dma_wait3A_120 = arith.constant 0 : i32
    %dma_wait3A_121 = tpu.memref_slice %arg2[%dma_wait3A, %dma_wait3A_117, %dma_wait3A_120] : memref<1x8x524288xf32, #tpu.memory_space<vmem>> -> memref<1x1x524288xf32, #tpu.memory_space<vmem>>
    %dma_wait3A_122 = tpu.memref_squeeze %dma_wait3A_121 : memref<1x1x524288xf32, #tpu.memory_space<vmem>> -> memref<524288xf32, #tpu.memory_space<vmem>>
    tpu.wait_dma2 semaphore(%arg4 : memref<!tpu.dma_semaphore, #tpu.memory_space<semaphore_mem>>) src(%dma_wait3A_122 : memref<524288xf32, #tpu.memory_space<vmem>>) dst(%dma_wait3A_119 : memref<524288xf32, #tpu.memory_space<any>>)
    %dma_wait3A_123 = arith.constant 0 : i32
    %dma_wait3A_124 = arith.constant 0 : i32
    %dma_wait3A_125 = arith.constant 0 : i32
    %dma_wait3A_126 = tpu.memref_slice %arg3[%dma_wait3A_125] : memref<33554432xf32, #tpu.memory_space<any>> -> memref<524288xf32, #tpu.memory_space<any>>
    %dma_wait3A_127 = arith.constant 0 : i32
    %dma_wait3A_128 = tpu.memref_slice %arg2[%dma_wait3A_123, %dma_wait3A_124, %dma_wait3A_127] : memref<1x8x524288xf32, #tpu.memory_space<vmem>> -> memref<1x1x524288xf32, #tpu.memory_space<vmem>>
    %dma_wait3A_129 = tpu.memref_squeeze %dma_wait3A_128 : memref<1x1x524288xf32, #tpu.memory_space<vmem>> -> memref<524288xf32, #tpu.memory_space<vmem>>
    tpu.wait_dma2 semaphore(%arg4 : memref<!tpu.dma_semaphore, #tpu.memory_space<semaphore_mem>>) src(%dma_wait3A_129 : memref<524288xf32, #tpu.memory_space<vmem>>) dst(%dma_wait3A_126 : memref<524288xf32, #tpu.memory_space<any>>)
    %dma_wait3A_130 = arith.constant 0 : i32
    %dma_wait3A_131 = arith.constant 0 : i32
    %dma_wait3A_132 = arith.constant 0 : i32
    %dma_wait3A_133 = tpu.memref_slice %arg3[%dma_wait3A_132] : memref<33554432xf32, #tpu.memory_space<any>> -> memref<524288xf32, #tpu.memory_space<any>>
    %dma_wait3A_134 = arith.constant 0 : i32
    %dma_wait3A_135 = tpu.memref_slice %arg2[%dma_wait3A_130, %dma_wait3A_131, %dma_wait3A_134] : memref<1x8x524288xf32, #tpu.memory_space<vmem>> -> memref<1x1x524288xf32, #tpu.memory_space<vmem>>
    %dma_wait3A_136 = tpu.memref_squeeze %dma_wait3A_135 : memref<1x1x524288xf32, #tpu.memory_space<vmem>> -> memref<524288xf32, #tpu.memory_space<vmem>>
    tpu.wait_dma2 semaphore(%arg4 : memref<!tpu.dma_semaphore, #tpu.memory_space<semaphore_mem>>) src(%dma_wait3A_136 : memref<524288xf32, #tpu.memory_space<vmem>>) dst(%dma_wait3A_133 : memref<524288xf32, #tpu.memory_space<any>>)
    %dma_wait3A_137 = arith.constant 0 : i32
    %dma_wait3A_138 = arith.constant 0 : i32
    %dma_wait3A_139 = arith.constant 0 : i32
    %dma_wait3A_140 = tpu.memref_slice %arg3[%dma_wait3A_139] : memref<33554432xf32, #tpu.memory_space<any>> -> memref<524288xf32, #tpu.memory_space<any>>
    %dma_wait3A_141 = arith.constant 0 : i32
    %dma_wait3A_142 = tpu.memref_slice %arg2[%dma_wait3A_137, %dma_wait3A_138, %dma_wait3A_141] : memref<1x8x524288xf32, #tpu.memory_space<vmem>> -> memref<1x1x524288xf32, #tpu.memory_space<vmem>>
    %dma_wait3A_143 = tpu.memref_squeeze %dma_wait3A_142 : memref<1x1x524288xf32, #tpu.memory_space<vmem>> -> memref<524288xf32, #tpu.memory_space<vmem>>
    tpu.wait_dma2 semaphore(%arg4 : memref<!tpu.dma_semaphore, #tpu.memory_space<semaphore_mem>>) src(%dma_wait3A_143 : memref<524288xf32, #tpu.memory_space<vmem>>) dst(%dma_wait3A_140 : memref<524288xf32, #tpu.memory_space<any>>)
    %dma_wait3A_144 = arith.constant 0 : i32
    %dma_wait3A_145 = arith.constant 0 : i32
    %dma_wait3A_146 = arith.constant 0 : i32
    %dma_wait3A_147 = tpu.memref_slice %arg3[%dma_wait3A_146] : memref<33554432xf32, #tpu.memory_space<any>> -> memref<524288xf32, #tpu.memory_space<any>>
    %dma_wait3A_148 = arith.constant 0 : i32
    %dma_wait3A_149 = tpu.memref_slice %arg2[%dma_wait3A_144, %dma_wait3A_145, %dma_wait3A_148] : memref<1x8x524288xf32, #tpu.memory_space<vmem>> -> memref<1x1x524288xf32, #tpu.memory_space<vmem>>
    %dma_wait3A_150 = tpu.memref_squeeze %dma_wait3A_149 : memref<1x1x524288xf32, #tpu.memory_space<vmem>> -> memref<524288xf32, #tpu.memory_space<vmem>>
    tpu.wait_dma2 semaphore(%arg4 : memref<!tpu.dma_semaphore, #tpu.memory_space<semaphore_mem>>) src(%dma_wait3A_150 : memref<524288xf32, #tpu.memory_space<vmem>>) dst(%dma_wait3A_147 : memref<524288xf32, #tpu.memory_space<any>>)
    %dma_wait3A_151 = arith.constant 0 : i32
    %dma_wait3A_152 = arith.constant 0 : i32
    %dma_wait3A_153 = arith.constant 0 : i32
    %dma_wait3A_154 = tpu.memref_slice %arg3[%dma_wait3A_153] : memref<33554432xf32, #tpu.memory_space<any>> -> memref<524288xf32, #tpu.memory_space<any>>
    %dma_wait3A_155 = arith.constant 0 : i32
    %dma_wait3A_156 = tpu.memref_slice %arg2[%dma_wait3A_151, %dma_wait3A_152, %dma_wait3A_155] : memref<1x8x524288xf32, #tpu.memory_space<vmem>> -> memref<1x1x524288xf32, #tpu.memory_space<vmem>>
    %dma_wait3A_157 = tpu.memref_squeeze %dma_wait3A_156 : memref<1x1x524288xf32, #tpu.memory_space<vmem>> -> memref<524288xf32, #tpu.memory_space<vmem>>
    tpu.wait_dma2 semaphore(%arg4 : memref<!tpu.dma_semaphore, #tpu.memory_space<semaphore_mem>>) src(%dma_wait3A_157 : memref<524288xf32, #tpu.memory_space<vmem>>) dst(%dma_wait3A_154 : memref<524288xf32, #tpu.memory_space<any>>)
    %dma_wait3A_158 = arith.constant 0 : i32
    %dma_wait3A_159 = arith.constant 0 : i32
    %dma_wait3A_160 = arith.constant 0 : i32
    %dma_wait3A_161 = tpu.memref_slice %arg3[%dma_wait3A_160] : memref<33554432xf32, #tpu.memory_space<any>> -> memref<524288xf32, #tpu.memory_space<any>>
    %dma_wait3A_162 = arith.constant 0 : i32
    %dma_wait3A_163 = tpu.memref_slice %arg2[%dma_wait3A_158, %dma_wait3A_159, %dma_wait3A_162] : memref<1x8x524288xf32, #tpu.memory_space<vmem>> -> memref<1x1x524288xf32, #tpu.memory_space<vmem>>
    %dma_wait3A_164 = tpu.memref_squeeze %dma_wait3A_163 : memref<1x1x524288xf32, #tpu.memory_space<vmem>> -> memref<524288xf32, #tpu.memory_space<vmem>>
    tpu.wait_dma2 semaphore(%arg4 : memref<!tpu.dma_semaphore, #tpu.memory_space<semaphore_mem>>) src(%dma_wait3A_164 : memref<524288xf32, #tpu.memory_space<vmem>>) dst(%dma_wait3A_161 : memref<524288xf32, #tpu.memory_space<any>>)
    %dma_wait3A_165 = arith.constant 0 : i32
    %dma_wait3A_166 = arith.constant 0 : i32
    %dma_wait3A_167 = arith.constant 0 : i32
    %dma_wait3A_168 = tpu.memref_slice %arg3[%dma_wait3A_167] : memref<33554432xf32, #tpu.memory_space<any>> -> memref<524288xf32, #tpu.memory_space<any>>
    %dma_wait3A_169 = arith.constant 0 : i32
    %dma_wait3A_170 = tpu.memref_slice %arg2[%dma_wait3A_165, %dma_wait3A_166, %dma_wait3A_169] : memref<1x8x524288xf32, #tpu.memory_space<vmem>> -> memref<1x1x524288xf32, #tpu.memory_space<vmem>>
    %dma_wait3A_171 = tpu.memref_squeeze %dma_wait3A_170 : memref<1x1x524288xf32, #tpu.memory_space<vmem>> -> memref<524288xf32, #tpu.memory_space<vmem>>
    tpu.wait_dma2 semaphore(%arg4 : memref<!tpu.dma_semaphore, #tpu.memory_space<semaphore_mem>>) src(%dma_wait3A_171 : memref<524288xf32, #tpu.memory_space<vmem>>) dst(%dma_wait3A_168 : memref<524288xf32, #tpu.memory_space<any>>)
    return
  }
  func.func @transform_0(%arg0: i32, %arg1: i32) -> (i32, i32, i32) {
    %add3A = arith.constant 4 : i32
    %add3A_0 = arith.addi %arg0, %add3A : i32
    %c0_i32 = arith.constant 0 : i32
    %c0_i32_1 = arith.constant 0 : i32
    return %add3A_0, %c0_i32, %arg1 : i32, i32, i32
  }
}

module attributes {stable_mosaic.version = 14 : i64} {
  func.func @_linear_body(%arg0: i32, %arg1: memref<2048x32xf32, #tpu.memory_space<vmem>>, %arg2: memref<2048x32xf32, #tpu.memory_space<vmem>>, %arg3: memref<64x32xf32, #tpu.memory_space<vmem>>, %arg4: memref<64x32xf32, #tpu.memory_space<vmem>>, %arg5: memref<64x1xf32, #tpu.memory_space<vmem>>, %arg6: memref<64x2048xf32, #tpu.memory_space<vmem>>) attributes {dimension_semantics = [#tpu.dimension_semantics<arbitrary>], iteration_bounds = array<i64: 8>, scalar_prefetch = 0 : i64, scratch_operands = 0 : i64, tpu.core_type = #tpu.core_type<tc>, window_params = [{transform_indices = @transform_0, window_bounds = array<i64: 2048, 32>}, {transform_indices = @transform_1, window_bounds = array<i64: 2048, 32>}, {pipeline_mode = #tpu.pipeline_mode<synchronous>, transform_indices = @transform_2, window_bounds = array<i64: 64, 32>}, {pipeline_mode = #tpu.pipeline_mode<synchronous>, transform_indices = @transform_3, window_bounds = array<i64: 64, 32>}, {pipeline_mode = #tpu.pipeline_mode<synchronous>, transform_indices = @transform_4, window_bounds = array<i64: 64, 1>}, {transform_indices = @transform_5, window_bounds = array<i64: 64, 2048>}]} {
    %get3A = arith.constant 0 : index
    %get3A_0 = arith.constant 0 : index
    %get3A_1 = vector.load %arg3[%get3A, %get3A_0] : memref<64x32xf32, #tpu.memory_space<vmem>>, vector<64x32xf32>
    %get3A_2 = arith.constant 0 : index
    %get3A_3 = arith.constant 0 : index
    %get3A_4 = vector.load %arg1[%get3A_2, %get3A_3] : memref<2048x32xf32, #tpu.memory_space<vmem>>, vector<2048x32xf32>
    %dot_general3A = arith.constant dense<0.000000e+00> : vector<64x2048xf32>
    %dot_general3A_5 = tpu.matmul %get3A_1, %get3A_4, %dot_general3A {dimension_numbers = #tpu.dot_dimension_numbers<[1], [1], [0], [0], [0, 0, 1, 0], [], []>, transpose_lhs_hint = false} : vector<64x32xf32>, vector<2048x32xf32>, vector<64x2048xf32> -> vector<64x2048xf32>
    %get3A_6 = arith.constant 0 : index
    %get3A_7 = arith.constant 0 : index
    %get3A_8 = vector.load %arg4[%get3A_6, %get3A_7] : memref<64x32xf32, #tpu.memory_space<vmem>>, vector<64x32xf32>
    %get3A_9 = arith.constant 0 : index
    %get3A_10 = arith.constant 0 : index
    %get3A_11 = vector.load %arg2[%get3A_9, %get3A_10] : memref<2048x32xf32, #tpu.memory_space<vmem>>, vector<2048x32xf32>
    %dot_general3A_12 = arith.constant dense<0.000000e+00> : vector<64x2048xf32>
    %dot_general3A_13 = tpu.matmul %get3A_8, %get3A_11, %dot_general3A_12 {dimension_numbers = #tpu.dot_dimension_numbers<[1], [1], [0], [0], [0, 0, 1, 0], [], []>, transpose_lhs_hint = false} : vector<64x32xf32>, vector<2048x32xf32>, vector<64x2048xf32> -> vector<64x2048xf32>
    %add3A = arith.addf %dot_general3A_5, %dot_general3A_13 : vector<64x2048xf32>
    %get3A_14 = arith.constant 0 : index
    %get3A_15 = arith.constant 0 : index
    %get3A_16 = vector.load %arg5[%get3A_14, %get3A_15] : memref<64x1xf32, #tpu.memory_space<vmem>>, vector<64x1xf32>
    %add3A_17 = vector.broadcast %get3A_16 : vector<64x1xf32> to vector<64x2048xf32>
    %add3A_18 = arith.addf %add3A, %add3A_17 : vector<64x2048xf32>
    %swap3A = arith.constant 0 : index
    %swap3A_19 = arith.constant 0 : index
    %swap3A_20 = vector.load %arg6[%swap3A, %swap3A_19] : memref<64x2048xf32, #tpu.memory_space<vmem>>, vector<64x2048xf32>
    tpu.vector_store %arg6[%swap3A, %swap3A_19], %add3A_18 {strides = array<i32>} : memref<64x2048xf32, #tpu.memory_space<vmem>>, vector<64x2048xf32>,
    return
  }
  func.func @transform_0(%arg0: i32) -> (i32, i32) {
    %c0_i32 = arith.constant 0 : i32
    %c0_i32_0 = arith.constant 0 : i32
    return %arg0, %c0_i32 : i32, i32
  }
  func.func @transform_1(%arg0: i32) -> (i32, i32) {
    %c0_i32 = arith.constant 0 : i32
    %c0_i32_0 = arith.constant 0 : i32
    return %arg0, %c0_i32 : i32, i32
  }
  func.func @transform_2(%arg0: i32) -> (i32, i32) {
    %c0_i32 = arith.constant 0 : i32
    %c0_i32_0 = arith.constant 0 : i32
    %c0_i32_1 = arith.constant 0 : i32
    return %c0_i32, %c0_i32_0 : i32, i32
  }
  func.func @transform_3(%arg0: i32) -> (i32, i32) {
    %c0_i32 = arith.constant 0 : i32
    %c0_i32_0 = arith.constant 0 : i32
    %c0_i32_1 = arith.constant 0 : i32
    return %c0_i32, %c0_i32_0 : i32, i32
  }
  func.func @transform_4(%arg0: i32) -> (i32, i32) {
    %c0_i32 = arith.constant 0 : i32
    %c0_i32_0 = arith.constant 0 : i32
    %c0_i32_1 = arith.constant 0 : i32
    return %c0_i32, %c0_i32_0 : i32, i32
  }
  func.func @transform_5(%arg0: i32) -> (i32, i32) {
    %c0_i32 = arith.constant 0 : i32
    %c0_i32_0 = arith.constant 0 : i32
    return %c0_i32, %arg0 : i32, i32
  }
}

</mosaic_0001>

<sc_bundles>
// kernel: kernel.10.cloned.1.call-start
scs
__scs_entry_jumppad:
0x0: {  	(pc) =	sbr.rel $0x88, $3  }
0x1: {  	(tag) =	ssettag $0x0;
	lr =	simm.s32 $0x1  }
0x2: {  	[smem:$0x3F9D] =	sst lr;
	_ =	strace $0xD0000000  }
0x3: {  	_ = 	snop  }
0x4: {  	_ = 	snop  }
0x5: {  	_ = 	snop  }
0x6: {  	_ = 	snop  }
0x7: {  	_ = 	snop  }
__scs_overlays_trampoline_lowered:
0x8: {  	[smem:$0x3FAC] =	sst s0  }
0x9: {  	[smem:$0x3FAD] =	sst s1  }
0xa: {  	[smem:$0x3FAE] =	sst s2  }
0xb: {  	[smem:$0x3FAF] =	sst s3  }
0xc: {  	[smem:$0x3FB0] =	sst s4  }
0xd: {  	[smem:$0x3FB1] =	sst s5  }
0xe: {  	[smem:$0x3FB2] =	sst s6  }
0xf: {  	[smem:$0x3FB3] =	sst s7  }
0x10: {  	[smem:$0x3FB4] =	sst s8  }
0x11: {  	[smem:$0x3FB5] =	sst s9;
	s0 =	simm.s32 @!p0 $0x0  }
0x12: {  	s1 =	sld [smem:$0x3F9B];
	s0 =	simm.s32 @p0 $0x1  }
0x13: {  	[smem:$0x3FB6] =	sst s0;
	s0 =	simm.s32 @!p1 $0x0  }
0x14: {  	s2 =	sld [smem:$0x3F9A];
	s0 =	simm.s32 @p1 $0x1  }
0x15: {  	[smem:$0x3FB7] =	sst s0;
	s0 =	simm.s32 @!p2 $0x0  }
0x16: {  	s3 =	sld [smem:$0x3FDB];
	s0 =	simm.s32 @p2 $0x1  }
0x17: {  	s4 =	simm.s32 $0x1BF5;
	[smem:$0x3FB9] =	sst s0  }
0x18: {  	s0 =	sld [smem:$0x3F9C];
	_ =	swait.ge [sflag:s4], $0x0  }
0x19: {  	s7 =	sld [smem:$0x3F9D]  }
0x1a: {  	s8 =	sadd.s32 $0xFFFFE003, lr  }
0x1b: {  	s9 =	sadd.s32 $0xFFFFFEF7, lr;
	s5 =	simm.s32 $0xFFFFFFFF;
	p2 =	slt.u32 s8, $0xFFFFF086  }
0x1c: {  	p1 =	slt.u32 s9, $0xF7A;
	s5 =	simm.s32 @!p2 $0x0  }
0x1d: {  	s5 =	simm.s32 @p1 $0x1;
	p0 =	seq.s32 s7, s2  }
0x1e: {  	s7 =	smul.u32 @!p0 $0xF7A, s2;
	p2 =	seq.s32 @!p0 s5, $0x0  }
0x1f: {  	s9 =	smul.u32 $0xF7A, s1;
	s8 =	simm.s32 @!p0 $0x1BF5;
	p2 =	por !p2, p0  }
0x20: {  	[sflag:s8] =	ssyncset.s32 @!p0 $0xFFFFF086;
	s6 =	sadd.s32 @!p0 s3, s7;
	s7 =	simm.s32 @!p0 $0x108  }
0x21: {  	s3 =	sadd.s32 s3, s9;
	s6 =	sadd.s32 @!p0 $0x88, s6;
	s7 =	simm.s32 @p2 $0x1082  }
0x22: {  	[simem:s7], [sflag:s8] =	dma.local @!p0 [hbm:s6], $0xF7A  }
0x23: {  	s9 =	sor.u32 $0xD0000000, s2;
	s6 =	simm.s32 $0x108;
	_ =	swait.ge @!p0 [sflag:s8], $0x0  }
0x24: {  	s3 =	sadd.s32 $0x88, s3;
	s6 =	simm.s32 @!p1 $0x1082;
	[sflag:s4] =	ssyncset.s32 $0xFFFFF086  }
0x25: {  	[simem:s6], [sflag:s4] =	dma.local [hbm:s3], $0xF7A  }
0x26: {  	[smem:$0x3F9D] =	sst s1;
	(tag) =	ssettag s2;
	_ =	strace s9  }
0x27: {  	s1 =	sld [smem:$0x3FAD]  }
0x28: {  	s2 =	sld [smem:$0x3FAE]  }
0x29: {  	s4 =	sld [smem:$0x3FB0]  }
0x2a: {  	p0 =	seq.s32 s5, $0x0;
	s5 =	sld [smem:$0x3FB1]  }
0x2b: {  	s6 =	sld [smem:$0x3FB2]  }
0x2c: {  	s7 =	sld [smem:$0x3FB3]  }
0x2d: {  	s3 =	simm.s32 $0x108;
	s8 =	sld [smem:$0x3FB4]  }
0x2e: {  	s3 =	simm.s32 @!p0 $0x1082;
	s9 =	sld [smem:$0x3FB5]  }
0x2f: {  	lr =	sadd.s32 s0, s3;
	s0 =	sld [smem:$0x3FAC]  }
0x30: {  	s3 =	sld [smem:$0x3FAF]  }
0x31: {  	[smem:$0x3FB8] =	sst s10  }
0x32: {  	s10 =	sld [smem:$0x3FB6];
	_ =	sdelay $0x3  }
0x33: {  	p0 =	seq.s32 s10, $0x1;
	s10 =	sld [smem:$0x3FB8];
	_ =	sdelay $0x3  }
0x34: {  	[smem:$0x3FB8] =	sst s10  }
0x35: {  	s10 =	sld [smem:$0x3FB7];
	_ =	sdelay $0x3  }
0x36: {  	p1 =	seq.s32 s10, $0x1;
	s10 =	sld [smem:$0x3FB8];
	_ =	sdelay $0x3  }
0x37: {  	[smem:$0x3FB8] =	sst s10  }
0x38: {  	s10 =	sld [smem:$0x3FB9]  }
0x39: {  	_ = 	snop;
	(pc) =	sbr.ind lr, $3  }
0x3a: {  	_ = 	snop  }
0x3b: {  	_ = 	snop  }
0x3c: {  	p2 =	seq.s32 s10, $0x1;
	s10 =	sld [smem:$0x3FB8]  }
0x3d: {  	_ =	shalt  }
0x3e: {  	_ =	shalt  }
0x3f: {  	_ =	shalt  }
0x40: {  	_ =	shalt  }
0x41: {  	_ =	shalt  }
0x42: {  	_ =	shalt  }
0x43: {  	_ =	shalt  }
0x44: {  	_ =	shalt  }
0x45: {  	_ =	shalt  }
0x46: {  	_ =	shalt  }
0x47: {  	_ =	shalt  }
0x48: {  	_ =	shalt  }
0x49: {  	_ =	shalt  }
0x4a: {  	_ =	shalt  }
0x4b: {  	_ =	shalt  }
0x4c: {  	_ =	shalt  }
0x4d: {  	_ =	shalt  }
0x4e: {  	_ =	shalt  }
0x4f: {  	_ =	shalt  }
0x50: {  	_ =	shalt  }
0x51: {  	_ =	shalt  }
0x52: {  	_ =	shalt  }
0x53: {  	_ =	shalt  }
0x54: {  	_ =	shalt  }
0x55: {  	_ =	shalt  }
0x56: {  	_ =	shalt  }
0x57: {  	_ =	shalt  }
0x58: {  	_ =	shalt  }
0x59: {  	_ =	shalt  }
0x5a: {  	_ =	shalt  }
0x5b: {  	_ =	shalt  }
0x5c: {  	_ =	shalt  }
0x5d: {  	_ =	shalt  }
0x5e: {  	_ =	shalt  }
0x5f: {  	_ =	shalt  }
0x60: {  	_ =	shalt  }
0x61: {  	_ =	shalt  }
0x62: {  	_ =	shalt  }
0x63: {  	_ =	shalt  }
0x64: {  	_ =	shalt  }
0x65: {  	_ =	shalt  }
0x66: {  	_ =	shalt  }
0x67: {  	_ =	shalt  }
0x68: {  	_ =	shalt  }
0x69: {  	_ =	shalt  }
0x6a: {  	_ =	shalt  }
0x6b: {  	_ =	shalt  }
0x6c: {  	_ =	shalt  }
0x6d: {  	_ =	shalt  }
0x6e: {  	_ =	shalt  }
0x6f: {  	_ =	shalt  }
0x70: {  	_ =	shalt  }
0x71: {  	_ =	shalt  }
0x72: {  	_ =	shalt  }
0x73: {  	_ =	shalt  }
0x74: {  	_ =	shalt  }
0x75: {  	_ =	shalt  }
0x76: {  	_ =	shalt  }
0x77: {  	_ =	shalt  }
0x78: {  	_ =	shalt  }
0x79: {  	_ =	shalt  }
0x7a: {  	_ =	shalt  }
0x7b: {  	_ =	shalt  }
0x7c: {  	_ =	shalt  }
0x7d: {  	_ =	shalt  }
0x7e: {  	_ =	shalt  }
0x7f: {  	_ =	shalt  }
0x80: {  	_ =	shalt  }
0x81: {  	_ =	shalt  }
0x82: {  	_ =	shalt  }
0x83: {  	_ =	shalt  }
0x84: {  	_ =	shalt  }
0x85: {  	_ =	shalt  }
0x86: {  	_ =	shalt  }
0x87: {  	_ =	shalt  }
.Lfunc_end0:
.L_simem_size_0:
called_computation.1_lowered:
.L_overlay_start_0:
0x88: {  	s2 =	sld [smem:$0x3FD9]  }
0x89: {  	s3 =	sld [smem:$0x3FFE];
	_ =	sdelay $0x1  }
0x8a: {  	s1 =	srdreg.scid  }
0x8b: {  	s0 =	sand.u32 $0x1, s1  }
0x8c: {  	s17 =	sshll.u32 s0, $0xA;
	s2 =	sadd.s32 s3, s2  }
0x8d: {  	s2 =	sadd.s32 s2, s17  }
0x8e: {  	[smem:$0x3FC4] =	sst s2  }
0x8f: {  	_ = 	snop  }
0x90: {  	s18 =	sld [smem:$0x3FC9]  }
0x91: {  	s4 =	sld [smem:$0x3FD0];
	(tm) =	ssettm $0x1  }
0x92: {  	s19 =	sld [smem:$0x3FFB];
	_ =	sdelay $0x3  }
0x93: {  	_ =	strace s19  }
0x94: {  	s2 =	sld [smem:$0x3FFC];
	_ =	sdelay $0x3  }
0x95: {  	_ =	strace s2  }
0x96: {  	s2 =	sld [smem:$0x3FFD];
	_ =	sdelay $0x3  }
0x97: {  	_ =	strace s2  }
0x98: {  	_ =	strace $0x8FFFFFFF  }
0x99: {  	s20 =	sld [smem:$0x3FDB];
	_ =	sdelay $0x1  }
0x9a: {  	s5 =	simm.s32 $_scs_section_size  }
0x9b: {  	s6 =	simm.s32 $_size__tile_overlayer_lowered;
	s7 =	simm.s32 $_tile_overlayer_lowered  }
0x9c: {  	s8 =	simm.s32 $0x1BFF;
	s21 =	sshll.u32 s7, $0x1;
	s5 =	sadd.s32 s5, s20  }
0x9d: {  	s22 =	simm.s32 $0x0;
	s6 =	sshll.u32 s6, $0x1;
	s7 =	sadd.s32 s21, s5  }
0x9e: {  	[timem:s22], [sflag:s8] =	dma.local [hbm:s7], s6  }
0x9f: {  	_ =	swait.ge [sflag:s8], s6  }
0xa0: {  	s6 =	ssub.s32 $0x0, s6;
	[sflag:s8] =	ssyncset.done $0x0  }
0xa1: {  	[sflag:s8] =	ssyncadd.s32 s6;
	_ =	sdelay $0x1  }
0xa2: {  	s23 =	simm.s32 $0x1B8B  }
0xa3: {  	_ =	swait.ge [sflag:s23], $0x1  }
0xa4: {  	[sflag:s23] =	ssyncset.done $0x0  }
0xa5: {  	[sflag:s23] =	ssyncadd.s32 $0xFFFFFFFF  }
0xa6: {  	s6 =	sld [smem:$0x0]  }
0xa7: {  	s7 =	sand.u32 $0xFFFFFFFE, s1  }
0xa8: {  	p0 =	sne.s32 s1, s7  }
0xa9: {  	s7 =	sshll.u32 @p0 s7, $0xE  }
0xaa: {  	s7 =	sadd.s32 @p0 $0x11B8D, s7;
	s8 =	sshll.u32 @p0 s6, $0x11  }
0xab: {  	s7 =	sor.u32 @p0 s8, s7  }
0xac: {  	[sflag:s7] =	ssyncadd.remote.s32 @p0 $0x1;
	_ =	sdelay $0x1  }
0xad: {  	s7 =	simm.s32 @p0 $0x1B8D  }
0xae: {  	_ =	swait.eq @p0 [sflag:s7], $0x1  }
0xaf: {  	[sflag:s7] =	ssyncadd.s32 @p0 $0xFFFFFFFF  }
0xb0: {  	s8 =	sshll.u32 @!p0 s1, $0xE  }
0xb1: {  	s8 =	sor.u32 @!p0 $0x4000, s8;
	s7 =	simm.s32 @!p0 $0x1B8D  }
0xb2: {  	s6 =	sshll.u32 @!p0 s6, $0x11;
	s8 =	sadd.s32 @!p0 $0x11B8D, s8;
	_ =	swait.eq @!p0 [sflag:s7], $0x1  }
0xb3: {  	s6 =	sor.u32 @!p0 s6, s8;
	[sflag:s7] =	ssyncadd.s32 @!p0 $0xFFFFFFFF  }
0xb4: {  	s25 =	simm.s32 $0x1B8E;
	s24 =	sld [smem:$0x3FFE];
	[sflag:s6] =	ssyncadd.remote.s32 @!p0 $0x1  }
0xb5: {  	s26 =	simm.s32 $execute0_lowered;
	[smem:$0x3FD2] =	sst s25  }
0xb6: {  	s7 =	sshll.u32 s26, $0x1;
	_ =	strace $0x80000049;
	[dreg:$0x1] =	wrdreg $0xFFFFFFFF  }
0xb7: {  	s28 =	simm.s32 $_size_execute0_lowered;
	s5 =	sadd.s32 s5, s7;
	[dreg:$0x0] =	wrdreg $0x0  }
0xb8: {  	s7 =	sshll.u32 s28, $0x1;
	[dreg:$0x2] =	wrdreg s5  }
0xb9: {  	[dreg:$0x3] =	wrdreg s7  }
0xba: {  	[dreg:$0x4] =	wrdreg $0xC0  }
0xbb: {  	_ =	task [dreg:s22], $0x5FFFF  }
0xbc: {  	[dreg:$0x1] =	wrdreg $0xFFFFFFFF  }
0xbd: {  	[dreg:$0x0] =	wrdreg $0x60  }
0xbe: {  	[dreg:$0x2] =	wrdreg s24  }
0xbf: {  	[dreg:$0x3] =	wrdreg s18  }
0xc0: {  	[dreg:$0x4] =	wrdreg s4  }
0xc1: {  	[dreg:$0x5] =	wrdreg $0xA  }
0xc2: {  	_ =	task.clear_ibuf [dreg:s22], $0x6FFFF;
	_ =	strace $0x90000049  }
0xc3: {  	s29 =	simm.s32 $0xA;
	_ =	strace $0x8000004B  }
0xc4: {  	_ =	swait.ge [sflag:s29], $0x1  }
0xc5: {  	[sflag:s29] =	ssyncadd.s32 $0xFFFFFFFF  }
0xc6: {  	_ =	strace $0x9000004B  }
0xc7: {  	_ =	sfence  }
0xc8: {  	s30 =	sld [smem:$0x0];
	_ =	sdelay $0x2  }
0xc9: {  	s31 =	sshll.u32 s1, $0xD;
	s1 =	sshrl.u32 s1, $0x2  }
0xca: {  	s4 =	sand.u32 $0x4000, s31;
	s1 =	sadd.s32 s1, s30  }
0xcb: {  	s0 =	sor.u32 s4, s0;
	s1 =	sshll.u32 s1, $0x11  }
0xcc: {  	s0 =	sor.u32 s1, s0  }
0xcd: {  	s0 =	sadd.s32 $0x8F2B, s0  }
0xce: {  	[sflag:s0] =	ssyncadd.remote.s32 $0x1  }
0xcf: {  	_ =	sfence.sel $0xFFFF  }
0xd0: {  	[dreg:$0x0] =	wrdreg $0xFFFFFFFF;
	(pc) =	sbr.abs _section_cstart, $3  }
0xd1: {  	[dreg:$0x1] =	wrdreg $0xFFFFFFFF  }
0xd2: {  	_ =	task.clear_ibuf [dreg:s22], $0x2FFFF;
	_ =	strace $0x9FFFFFFF  }
0xd3: {  	(tm) =	ssettm $0x7FFFFFFF  }
tec
execute0_lowered:
.L_overlay_start_1:
0x0: {  	(tag) =	ssettag $0x1  }
0x1: {  	s3 =	rddreg [dreg:$0x0]  }
0x2: {  	s4 =	rddreg [dreg:$0x1]  }
0x3: {  	s5 =	rddreg [dreg:$0x2]  }
0x4: {  	s0 =	rddreg [dreg:$0x3];
	s2 =	simm.s32 $0x0;
	s6 =	srdreg.scid  }
0x5: {  	s1 =	stileid.u32;
	s10 =	simm.s32 $0x4200;
	s11 =	simm.s32 $0x1  }
0x6: {  	s12 =	simm.s32 $0x0;
	[smem:$0x7FF] =	sst s2;
	s6 =	sand.u32 $0x1, s6  }
0x7: {  	s8 =	sshll.u32 s1, $0x1;
	s3 =	sadd.s32 $0x410E00, s3;
	s7 =	ssub.s32 $0x2, s6  }
0x8: {  	v0 =	vlaneseq.u32;
	_ =	strace $0x8000004A;
	s6 =	sor.u32 s6, s8;
	s9 =	sshrl.u32 s7, $0x1  }
0x9: {  	v0 =	vmul.u32 $0x100000, v0;
	s8 =	sshll.u32 s6, $0x6;
	s6 =	sshll.u32 s6, $0xB;
	s7 =	ssub.s32 s7, s9  }
0xa: {  	s4 =	sadd.s32 s4, s8;
	s5 =	sadd.s32 s5, s6;
	s8 =	simm.s32 $0x4000  }
0xb: {  	v1 =	vor.u32 $0x1000000, v0;
	s9 =	simm.s32 $0x200;
	s6 =	smax.u32 s7, $0x1;
	s7 =	simm.s32 $0x2  }
.LBB2_1:
0xc: {  	[tilespmem:s2], [sflag:$0x2] =	stream.linear.gather [hbm4b:s4+s2], $0x200, $0x38;
	[tilespmem:$0x8200] =	vst v63  }
0xd: {  	_ =	swait.ge [sflag:s7], $0x200  }
0xe: {  	[sflag:s7] =	ssyncset.done $0x0  }
0xf: {  	s13 =	simm.s32 $0x0;
	[sflag:s7] =	ssyncadd.s32 $0xFFFFFE00  }
0x10: {  	v2 =	vld [tilespmem:s13+$0x0];
	_ =	sdelay $0x4  }
0x11: {  	v3 =	vbroadcast v2, $0x0;
	_ =	sdelay $0x1  }
0x12: {  	s13 =	simm.s32 $0x300;
	v4 =	vbroadcast v2, $0x1;
	v5 =	vadd.s32 v0, v3  }
0x13: {  	v37 =	vbroadcast v2, $0x2;
	v3 =	vadd.s32 v1, v3;
	[tilespmem:s13+$0xFFFFFF00] =	vst v5  }
0x14: {  	v38 =	vbroadcast v2, $0x3;
	v6 =	vadd.s32 v0, v4;
	[tilespmem:s13+$0xFFFFFF10] =	vst v3  }
0x15: {  	v41 =	vbroadcast v2, $0x4;
	v39 =	vadd.s32 v0, v37;
	[tilespmem:s13+$0xFFFFFF20] =	vst v6  }
0x16: {  	v42 =	vbroadcast v2, $0x5;
	v40 =	vadd.s32 v0, v38;
	[tilespmem:s13+$0xFFFFFF40] =	vst v39  }
0x17: {  	v44 =	vbroadcast v2, $0x6;
	v43 =	vadd.s32 v0, v41;
	[tilespmem:s13+$0xFFFFFF60] =	vst v40  }
0x18: {  	v46 =	vbroadcast v2, $0x7;
	v45 =	vadd.s32 v0, v42;
	[tilespmem:s13+$0xFFFFFF80] =	vst v43  }
0x19: {  	v49 =	vbroadcast v2, $0x8;
	v47 =	vadd.s32 v0, v44;
	[tilespmem:s13+$0xFFFFFFA0] =	vst v45  }
0x1a: {  	v50 =	vbroadcast v2, $0x9;
	v48 =	vadd.s32 v0, v46;
	[tilespmem:s13+$0xFFFFFFC0] =	vst v47  }
0x1b: {  	v52 =	vbroadcast v2, $0xA;
	v51 =	vadd.s32 v0, v49;
	[tilespmem:s13+$0xFFFFFFE0] =	vst v48  }
0x1c: {  	v54 =	vbroadcast v2, $0xB;
	v53 =	vadd.s32 v0, v50;
	[tilespmem:s13+$0x0] =	vst v51  }
0x1d: {  	v57 =	vbroadcast v2, $0xC;
	v55 =	vadd.s32 v0, v52;
	[tilespmem:s13+$0x20] =	vst v53  }
0x1e: {  	v58 =	vbroadcast v2, $0xD;
	v56 =	vadd.s32 v0, v54;
	[tilespmem:s13+$0x40] =	vst v55  }
0x1f: {  	v60 =	vbroadcast v2, $0xE;
	v59 =	vadd.s32 v0, v57;
	[tilespmem:s13+$0x60] =	vst v56  }
0x20: {  	v2 =	vbroadcast v2, $0xF;
	v61 =	vadd.s32 v0, v58;
	[tilespmem:s13+$0x80] =	vst v59  }
0x21: {  	v62 =	vadd.s32 v0, v60;
	[tilespmem:s13+$0xA0] =	vst v61  }
0x22: {  	v63 =	vadd.s32 v0, v2;
	[tilespmem:s13+$0xC0] =	vst v62  }
0x23: {  	v2 =	vadd.s32 v1, v2;
	[tilespmem:s13+$0xE0] =	vst v63  }
0x24: {  	v3 =	vadd.s32 v1, v4;
	[tilespmem:s13+$0xF0] =	vst v2  }
0x25: {  	[tilespmem:s13+$0xFFFFFF30] =	vst v3;
	v3 =	vadd.s32 v1, v37  }
0x26: {  	[tilespmem:s13+$0xFFFFFF50] =	vst v3;
	v3 =	vadd.s32 v1, v38  }
0x27: {  	[tilespmem:s13+$0xFFFFFF70] =	vst v3;
	v3 =	vadd.s32 v1, v41  }
0x28: {  	[tilespmem:s13+$0xFFFFFF90] =	vst v3;
	v3 =	vadd.s32 v1, v42  }
0x29: {  	[tilespmem:s13+$0xFFFFFFB0] =	vst v3;
	v3 =	vadd.s32 v1, v44  }
0x2a: {  	[tilespmem:s13+$0xFFFFFFD0] =	vst v3;
	v3 =	vadd.s32 v1, v46  }
0x2b: {  	[tilespmem:s13+$0xFFFFFFF0] =	vst v3;
	v3 =	vadd.s32 v1, v49  }
0x2c: {  	[tilespmem:s13+$0x10] =	vst v3;
	v3 =	vadd.s32 v1, v50  }
0x2d: {  	[tilespmem:s13+$0x30] =	vst v3;
	v3 =	vadd.s32 v1, v52  }
0x2e: {  	[tilespmem:s13+$0x50] =	vst v3;
	v3 =	vadd.s32 v1, v54  }
0x2f: {  	[tilespmem:s13+$0x70] =	vst v3;
	v3 =	vadd.s32 v1, v57  }
0x30: {  	[tilespmem:s13+$0x90] =	vst v3;
	v3 =	vadd.s32 v1, v58  }
0x31: {  	[tilespmem:s13+$0xB0] =	vst v3;
	v3 =	vadd.s32 v1, v60  }
0x32: {  	s15 =	simm.s32 $0x10;
	s14 =	simm.s32 $0x80;
	[tilespmem:s13+$0xD0] =	vst v3  }
.LBB2_2:
0x33: {  	p0 =	sne.s32 s14, $0x7C0;
	v2 =	vld [tilespmem:s15+$0x0];
	_ =	sdelay $0x4  }
0x34: {  	v3 =	vbroadcast v2, $0x0;
	v4 =	vbroadcast v2, $0x1  }
0x35: {  	v5 =	vbroadcast v2, $0x2;
	v6 =	vbroadcast v2, $0x3  }
0x36: {  	s13 =	sadd.s32 $0x200, s13;
	v7 =	vadd.s32 v0, v3;
	v3 =	vadd.s32 v1, v3;
	v8 =	vadd.s32 v0, v4  }
0x37: {  	v4 =	vadd.s32 v1, v4;
	[tilespmem:s13+$0xFFFFFF00] =	vst v7;
	v7 =	vadd.s32 v0, v5;
	v5 =	vadd.s32 v1, v5  }
0x38: {  	v9 =	vbroadcast v2, $0x4;
	[tilespmem:s13+$0xFFFFFF10] =	vst v3;
	v3 =	vadd.s32 v0, v6;
	v6 =	vadd.s32 v1, v6  }
0x39: {  	v10 =	vbroadcast v2, $0x6;
	[tilespmem:s13+$0xFFFFFF20] =	vst v8;
	v8 =	vbroadcast v2, $0x5  }
0x3a: {  	v11 =	vbroadcast v2, $0x7;
	[tilespmem:s13+$0xFFFFFF30] =	vst v4;
	v4 =	vadd.s32 v0, v9;
	v9 =	vadd.s32 v1, v9  }
0x3b: {  	v12 =	vadd.s32 v0, v10;
	[tilespmem:s13+$0xFFFFFF40] =	vst v7;
	v7 =	vadd.s32 v0, v8;
	v8 =	vadd.s32 v1, v8  }
0x3c: {  	[tilespmem:s13+$0xFFFFFF50] =	vst v5;
	v5 =	vadd.s32 v1, v10;
	v10 =	vadd.s32 v0, v11;
	v11 =	vadd.s32 v1, v11  }
0x3d: {  	v13 =	vbroadcast v2, $0x9;
	[tilespmem:s13+$0xFFFFFF60] =	vst v3;
	v3 =	vbroadcast v2, $0x8  }
0x3e: {  	v14 =	vbroadcast v2, $0xB;
	[tilespmem:s13+$0xFFFFFF70] =	vst v6;
	v6 =	vbroadcast v2, $0xA  }
0x3f: {  	v15 =	vadd.s32 v0, v13;
	[tilespmem:s13+$0xFFFFFF80] =	vst v4;
	v4 =	vadd.s32 v0, v3;
	v3 =	vadd.s32 v1, v3  }
0x40: {  	[tilespmem:s13+$0xFFFFFF90] =	vst v9;
	v9 =	vadd.s32 v1, v13;
	v13 =	vadd.s32 v0, v6;
	v6 =	vadd.s32 v1, v6  }
0x41: {  	v16 =	vbroadcast v2, $0xC;
	[tilespmem:s13+$0xFFFFFFA0] =	vst v7;
	v7 =	vadd.s32 v0, v14;
	v14 =	vadd.s32 v1, v14  }
0x42: {  	v17 =	vbroadcast v2, $0xE;
	[tilespmem:s13+$0xFFFFFFB0] =	vst v8;
	v8 =	vbroadcast v2, $0xD  }
0x43: {  	v2 =	vbroadcast v2, $0xF;
	[tilespmem:s13+$0xFFFFFFC0] =	vst v12;
	v12 =	vadd.s32 v0, v16;
	v16 =	vadd.s32 v1, v16  }
0x44: {  	v18 =	vadd.s32 v0, v17;
	[tilespmem:s13+$0xFFFFFFD0] =	vst v5;
	v5 =	vadd.s32 v0, v8;
	v8 =	vadd.s32 v1, v8  }
0x45: {  	[tilespmem:s13+$0xFFFFFFE0] =	vst v10;
	v10 =	vadd.s32 v1, v17;
	v17 =	vadd.s32 v0, v2;
	v2 =	vadd.s32 v1, v2  }
0x46: {  	[tilespmem:s13+$0xFFFFFFF0] =	vst v11  }
0x47: {  	[tilespmem:s13+$0x0] =	vst v4  }
0x48: {  	[tilespmem:s13+$0x10] =	vst v3  }
0x49: {  	[tilespmem:s13+$0x20] =	vst v15  }
0x4a: {  	[tilespmem:s13+$0x30] =	vst v9  }
0x4b: {  	[tilespmem:s13+$0x40] =	vst v13  }
0x4c: {  	[tilespmem:s13+$0x50] =	vst v6  }
0x4d: {  	[tilespmem:s13+$0x60] =	vst v7  }
0x4e: {  	[tilespmem:s13+$0x70] =	vst v14  }
0x4f: {  	[tilespmem:s13+$0x80] =	vst v12  }
0x50: {  	[tilespmem:s13+$0x90] =	vst v16  }
0x51: {  	[tilespmem:s13+$0xA0] =	vst v5  }
.Ltmp0:
0x52: {  	[tilespmem:s13+$0xB0] =	vst v8;
	(pc) =	sbr.rel @p0 .LBB2_2-.Ltmp0, $4  }
0x53: {  	[tilespmem:s13+$0xC0] =	vst v18  }
0x54: {  	[tilespmem:s13+$0xD0] =	vst v10  }
0x55: {  	[tilespmem:s13+$0xE0] =	vst v17  }
0x56: {  	s15 =	sshra.s32 s14, $0x2;
	s14 =	sadd.s32 $0x40, s14;
	[tilespmem:s13+$0xF0] =	vst v2  }
0x57: {  	v2 =	vld [tilespmem:s15+$0x0];
	_ =	sdelay $0x4  }
0x58: {  	v3 =	vbroadcast v2, $0x0;
	_ =	sdelay $0x1  }
0x59: {  	s13 =	sadd.s32 $0x200, s13;
	v4 =	vbroadcast v2, $0x1;
	v5 =	vadd.s32 v0, v3  }
0x5a: {  	v37 =	vbroadcast v2, $0x2;
	v3 =	vadd.s32 v1, v3;
	[tilespmem:s13+$0xFFFFFF00] =	vst v5  }
0x5b: {  	v38 =	vbroadcast v2, $0x3;
	v6 =	vadd.s32 v0, v4;
	[tilespmem:s13+$0xFFFFFF10] =	vst v3  }
0x5c: {  	v41 =	vbroadcast v2, $0x4;
	v39 =	vadd.s32 v0, v37;
	[tilespmem:s13+$0xFFFFFF20] =	vst v6  }
0x5d: {  	v42 =	vbroadcast v2, $0x5;
	v40 =	vadd.s32 v0, v38;
	[tilespmem:s13+$0xFFFFFF40] =	vst v39  }
0x5e: {  	v44 =	vbroadcast v2, $0x6;
	v43 =	vadd.s32 v0, v41;
	[tilespmem:s13+$0xFFFFFF60] =	vst v40  }
0x5f: {  	v46 =	vbroadcast v2, $0x7;
	v45 =	vadd.s32 v0, v42;
	[tilespmem:s13+$0xFFFFFF80] =	vst v43  }
0x60: {  	v49 =	vbroadcast v2, $0x8;
	v47 =	vadd.s32 v0, v44;
	[tilespmem:s13+$0xFFFFFFA0] =	vst v45  }
0x61: {  	v50 =	vbroadcast v2, $0x9;
	v48 =	vadd.s32 v0, v46;
	[tilespmem:s13+$0xFFFFFFC0] =	vst v47  }
0x62: {  	v52 =	vbroadcast v2, $0xA;
	v51 =	vadd.s32 v0, v49;
	[tilespmem:s13+$0xFFFFFFE0] =	vst v48  }
0x63: {  	v54 =	vbroadcast v2, $0xB;
	v53 =	vadd.s32 v0, v50;
	[tilespmem:s13+$0x0] =	vst v51  }
0x64: {  	v57 =	vbroadcast v2, $0xC;
	v55 =	vadd.s32 v0, v52;
	[tilespmem:s13+$0x20] =	vst v53  }
0x65: {  	v58 =	vbroadcast v2, $0xD;
	v56 =	vadd.s32 v0, v54;
	[tilespmem:s13+$0x40] =	vst v55  }
0x66: {  	v60 =	vbroadcast v2, $0xE;
	v59 =	vadd.s32 v0, v57;
	[tilespmem:s13+$0x60] =	vst v56  }
0x67: {  	v2 =	vbroadcast v2, $0xF;
	v61 =	vadd.s32 v0, v58;
	[tilespmem:s13+$0x80] =	vst v59  }
0x68: {  	v62 =	vadd.s32 v0, v60;
	[tilespmem:s13+$0xA0] =	vst v61  }
0x69: {  	v63 =	vadd.s32 v0, v2;
	[tilespmem:s13+$0xC0] =	vst v62  }
0x6a: {  	v2 =	vadd.s32 v1, v2;
	[tilespmem:s13+$0xE0] =	vst v63  }
0x6b: {  	v3 =	vadd.s32 v1, v4;
	[tilespmem:s13+$0xF0] =	vst v2  }
0x6c: {  	[tilespmem:s13+$0xFFFFFF30] =	vst v3;
	v3 =	vadd.s32 v1, v37  }
0x6d: {  	[tilespmem:s13+$0xFFFFFF50] =	vst v3;
	v3 =	vadd.s32 v1, v38  }
0x6e: {  	[tilespmem:s13+$0xFFFFFF70] =	vst v3;
	v3 =	vadd.s32 v1, v41  }
0x6f: {  	[tilespmem:s13+$0xFFFFFF90] =	vst v3;
	v3 =	vadd.s32 v1, v42  }
0x70: {  	[tilespmem:s13+$0xFFFFFFB0] =	vst v3;
	v3 =	vadd.s32 v1, v44  }
0x71: {  	[tilespmem:s13+$0xFFFFFFD0] =	vst v3;
	v3 =	vadd.s32 v1, v46  }
0x72: {  	[tilespmem:s13+$0xFFFFFFF0] =	vst v3;
	v3 =	vadd.s32 v1, v49  }
0x73: {  	[tilespmem:s13+$0x10] =	vst v3;
	v3 =	vadd.s32 v1, v50  }
0x74: {  	[tilespmem:s13+$0x30] =	vst v3;
	v3 =	vadd.s32 v1, v52  }
0x75: {  	[tilespmem:s13+$0x50] =	vst v3;
	v3 =	vadd.s32 v1, v54  }
0x76: {  	[tilespmem:s13+$0x70] =	vst v3;
	v3 =	vadd.s32 v1, v57  }
0x77: {  	[tilespmem:s13+$0x90] =	vst v3;
	v3 =	vadd.s32 v1, v58  }
0x78: {  	[tilespmem:s13+$0xB0] =	vst v3;
	v3 =	vadd.s32 v1, v60  }
0x79: {  	[tilespmem:s13+$0xD0] =	vst v3  }
0x7a: {  	[tilespmem:s10], [sflag:$0x1] =	stream.indirect.gather [hbm4b:s3+s8], $0x1, s9, s8, $0xb8;
	[tilespmem:$0x8200] =	vst v63  }
0x7b: {  	s12 =	sadd.s32 $0x1, s12;
	_ =	swait.ge [sflag:s11], $0x4000  }
0x7c: {  	p0 =	sne.s32 s12, s6;
	[sflag:s11] =	ssyncset.done $0x0  }
.Ltmp1:
0x7d: {  	[sflag:s11] =	ssyncadd.s32 $0xFFFFC000;
	(pc) =	sbr.rel @p0 .LBB2_1-.Ltmp1, $4  }
0x7e: {  	[hbm4b:s5+s2] =	stream.linear.scatter [tilespmem:s10], [sflag:$0x2], $0x4000, $0x38;
	[tilespmem:$0x8200] =	vst v63  }
0x7f: {  	_ =	swait.ge [sflag:s7], $0x4000  }
0x80: {  	[sflag:s7] =	ssyncset.done $0x0  }
0x81: {  	[sflag:s7] =	ssyncadd.s32 $0xFFFFC000  }
0x82: {  	_ =	sfence.sel $0x180000  }
0x83: {  	[bflag:$0x0] =	sbarrier.arrive $0xFFFF  }
0x84: {  	p0 =	sne.s32 s1, $0x0;
	_ =	strace $0x9000004A  }
0x85: {  	s0 =	sadd.s32 @!p0 $0x100000, s0;
	[bflag:$0x2] =	sbarrier.arrive $0xFFFF  }
0x86: {  	[sflag:s0] =	ssyncadd.tile.s32 @!p0 $0x1;
	_ =	shalt  }
.Lfunc_end2:
_tile_overlayer_lowered:
.L_overlay_start_2:
0x87: {  	(tag) =	ssettag $0x2  }
0x88: {  	s0 =	rddreg [dreg:$0x0];
	s2 =	stileid.u32  }
0x89: {  	s1 =	rddreg [dreg:$0x1];
	p0 =	sne.s32 s2, $0x0  }
0x8a: {  	s3 =	rddreg [dreg:$0x2];
	[bflag:$0x3] =	sbarrier.arrive $0xFFFF;
	s2 =	simm.s32 @!p0 $0x1C02  }
0x8b: {  	[timem:s3], [sflag:s2] =	dma.local @!p0 [hbm:s0], s1  }
0x8c: {  	s0 =	simm.s32 @!p0 $0x2  }
0x8d: {  	_ =	swait.ge @!p0 [sflag:s0], s1  }
0x8e: {  	s1 =	ssub.s32 @!p0 $0x0, s1;
	[sflag:s0] =	ssyncset.done @!p0 $0x0  }
0x8f: {  	[sflag:s0] =	ssyncadd.s32 @!p0 s1  }
0x90: {  	[bflag:$0x3] =	sbarrier.arrive $0xFFFF  }
0x91: {  	_ =	shalt  }

// kernel: kernel.7.cloned.1.call-start
scs
__scs_entry_jumppad:
0x0: {  	(pc) =	sbr.rel $0x88, $3  }
0x1: {  	(tag) =	ssettag $0x0;
	lr =	simm.s32 $0x1  }
0x2: {  	[smem:$0x3F9D] =	sst lr;
	_ =	strace $0xD0000000  }
0x3: {  	_ = 	snop  }
0x4: {  	_ = 	snop  }
0x5: {  	_ = 	snop  }
0x6: {  	_ = 	snop  }
0x7: {  	_ = 	snop  }
__scs_overlays_trampoline_lowered:
0x8: {  	[smem:$0x3FAC] =	sst s0  }
0x9: {  	[smem:$0x3FAD] =	sst s1  }
0xa: {  	[smem:$0x3FAE] =	sst s2  }
0xb: {  	[smem:$0x3FAF] =	sst s3  }
0xc: {  	[smem:$0x3FB0] =	sst s4  }
0xd: {  	[smem:$0x3FB1] =	sst s5  }
0xe: {  	[smem:$0x3FB2] =	sst s6  }
0xf: {  	[smem:$0x3FB3] =	sst s7  }
0x10: {  	[smem:$0x3FB4] =	sst s8  }
0x11: {  	[smem:$0x3FB5] =	sst s9;
	s0 =	simm.s32 @!p0 $0x0  }
0x12: {  	s1 =	sld [smem:$0x3F9B];
	s0 =	simm.s32 @p0 $0x1  }
0x13: {  	[smem:$0x3FB6] =	sst s0;
	s0 =	simm.s32 @!p1 $0x0  }
0x14: {  	s2 =	sld [smem:$0x3F9A];
	s0 =	simm.s32 @p1 $0x1  }
0x15: {  	[smem:$0x3FB7] =	sst s0;
	s0 =	simm.s32 @!p2 $0x0  }
0x16: {  	s3 =	sld [smem:$0x3FDB];
	s0 =	simm.s32 @p2 $0x1  }
0x17: {  	s4 =	simm.s32 $0x1BF5;
	[smem:$0x3FB9] =	sst s0  }
0x18: {  	s0 =	sld [smem:$0x3F9C];
	_ =	swait.ge [sflag:s4], $0x0  }
0x19: {  	s7 =	sld [smem:$0x3F9D]  }
0x1a: {  	s8 =	sadd.s32 $0xFFFFE003, lr  }
0x1b: {  	s9 =	sadd.s32 $0xFFFFFEF7, lr;
	s5 =	simm.s32 $0xFFFFFFFF;
	p2 =	slt.u32 s8, $0xFFFFF086  }
0x1c: {  	p1 =	slt.u32 s9, $0xF7A;
	s5 =	simm.s32 @!p2 $0x0  }
0x1d: {  	s5 =	simm.s32 @p1 $0x1;
	p0 =	seq.s32 s7, s2  }
0x1e: {  	s7 =	smul.u32 @!p0 $0xF7A, s2;
	p2 =	seq.s32 @!p0 s5, $0x0  }
0x1f: {  	s9 =	smul.u32 $0xF7A, s1;
	s8 =	simm.s32 @!p0 $0x1BF5;
	p2 =	por !p2, p0  }
0x20: {  	[sflag:s8] =	ssyncset.s32 @!p0 $0xFFFFF086;
	s6 =	sadd.s32 @!p0 s3, s7;
	s7 =	simm.s32 @!p0 $0x108  }
0x21: {  	s3 =	sadd.s32 s3, s9;
	s6 =	sadd.s32 @!p0 $0x88, s6;
	s7 =	simm.s32 @p2 $0x1082  }
0x22: {  	[simem:s7], [sflag:s8] =	dma.local @!p0 [hbm:s6], $0xF7A  }
0x23: {  	s9 =	sor.u32 $0xD0000000, s2;
	s6 =	simm.s32 $0x108;
	_ =	swait.ge @!p0 [sflag:s8], $0x0  }
0x24: {  	s3 =	sadd.s32 $0x88, s3;
	s6 =	simm.s32 @!p1 $0x1082;
	[sflag:s4] =	ssyncset.s32 $0xFFFFF086  }
0x25: {  	[simem:s6], [sflag:s4] =	dma.local [hbm:s3], $0xF7A  }
0x26: {  	[smem:$0x3F9D] =	sst s1;
	(tag) =	ssettag s2;
	_ =	strace s9  }
0x27: {  	s1 =	sld [smem:$0x3FAD]  }
0x28: {  	s2 =	sld [smem:$0x3FAE]  }
0x29: {  	s4 =	sld [smem:$0x3FB0]  }
0x2a: {  	p0 =	seq.s32 s5, $0x0;
	s5 =	sld [smem:$0x3FB1]  }
0x2b: {  	s6 =	sld [smem:$0x3FB2]  }
0x2c: {  	s7 =	sld [smem:$0x3FB3]  }
0x2d: {  	s3 =	simm.s32 $0x108;
	s8 =	sld [smem:$0x3FB4]  }
0x2e: {  	s3 =	simm.s32 @!p0 $0x1082;
	s9 =	sld [smem:$0x3FB5]  }
0x2f: {  	lr =	sadd.s32 s0, s3;
	s0 =	sld [smem:$0x3FAC]  }
0x30: {  	s3 =	sld [smem:$0x3FAF]  }
0x31: {  	[smem:$0x3FB8] =	sst s10  }
0x32: {  	s10 =	sld [smem:$0x3FB6];
	_ =	sdelay $0x3  }
0x33: {  	p0 =	seq.s32 s10, $0x1;
	s10 =	sld [smem:$0x3FB8];
	_ =	sdelay $0x3  }
0x34: {  	[smem:$0x3FB8] =	sst s10  }
0x35: {  	s10 =	sld [smem:$0x3FB7];
	_ =	sdelay $0x3  }
0x36: {  	p1 =	seq.s32 s10, $0x1;
	s10 =	sld [smem:$0x3FB8];
	_ =	sdelay $0x3  }
0x37: {  	[smem:$0x3FB8] =	sst s10  }
0x38: {  	s10 =	sld [smem:$0x3FB9]  }
0x39: {  	_ = 	snop;
	(pc) =	sbr.ind lr, $3  }
0x3a: {  	_ = 	snop  }
0x3b: {  	_ = 	snop  }
0x3c: {  	p2 =	seq.s32 s10, $0x1;
	s10 =	sld [smem:$0x3FB8]  }
0x3d: {  	_ =	shalt  }
0x3e: {  	_ =	shalt  }
0x3f: {  	_ =	shalt  }
0x40: {  	_ =	shalt  }
0x41: {  	_ =	shalt  }
0x42: {  	_ =	shalt  }
0x43: {  	_ =	shalt  }
0x44: {  	_ =	shalt  }
0x45: {  	_ =	shalt  }
0x46: {  	_ =	shalt  }
0x47: {  	_ =	shalt  }
0x48: {  	_ =	shalt  }
0x49: {  	_ =	shalt  }
0x4a: {  	_ =	shalt  }
0x4b: {  	_ =	shalt  }
0x4c: {  	_ =	shalt  }
0x4d: {  	_ =	shalt  }
0x4e: {  	_ =	shalt  }
0x4f: {  	_ =	shalt  }
0x50: {  	_ =	shalt  }
0x51: {  	_ =	shalt  }
0x52: {  	_ =	shalt  }
0x53: {  	_ =	shalt  }
0x54: {  	_ =	shalt  }
0x55: {  	_ =	shalt  }
0x56: {  	_ =	shalt  }
0x57: {  	_ =	shalt  }
0x58: {  	_ =	shalt  }
0x59: {  	_ =	shalt  }
0x5a: {  	_ =	shalt  }
0x5b: {  	_ =	shalt  }
0x5c: {  	_ =	shalt  }
0x5d: {  	_ =	shalt  }
0x5e: {  	_ =	shalt  }
0x5f: {  	_ =	shalt  }
0x60: {  	_ =	shalt  }
0x61: {  	_ =	shalt  }
0x62: {  	_ =	shalt  }
0x63: {  	_ =	shalt  }
0x64: {  	_ =	shalt  }
0x65: {  	_ =	shalt  }
0x66: {  	_ =	shalt  }
0x67: {  	_ =	shalt  }
0x68: {  	_ =	shalt  }
0x69: {  	_ =	shalt  }
0x6a: {  	_ =	shalt  }
0x6b: {  	_ =	shalt  }
0x6c: {  	_ =	shalt  }
0x6d: {  	_ =	shalt  }
0x6e: {  	_ =	shalt  }
0x6f: {  	_ =	shalt  }
0x70: {  	_ =	shalt  }
0x71: {  	_ =	shalt  }
0x72: {  	_ =	shalt  }
0x73: {  	_ =	shalt  }
0x74: {  	_ =	shalt  }
0x75: {  	_ =	shalt  }
0x76: {  	_ =	shalt  }
0x77: {  	_ =	shalt  }
0x78: {  	_ =	shalt  }
0x79: {  	_ =	shalt  }
0x7a: {  	_ =	shalt  }
0x7b: {  	_ =	shalt  }
0x7c: {  	_ =	shalt  }
0x7d: {  	_ =	shalt  }
0x7e: {  	_ =	shalt  }
0x7f: {  	_ =	shalt  }
0x80: {  	_ =	shalt  }
0x81: {  	_ =	shalt  }
0x82: {  	_ =	shalt  }
0x83: {  	_ =	shalt  }
0x84: {  	_ =	shalt  }
0x85: {  	_ =	shalt  }
0x86: {  	_ =	shalt  }
0x87: {  	_ =	shalt  }
.Lfunc_end0:
.L_simem_size_0:
called_computation_lowered:
.L_overlay_start_0:
0x88: {  	s2 =	sld [smem:$0x3FD9]  }
0x89: {  	s3 =	sld [smem:$0x3FFE];
	_ =	sdelay $0x1  }
0x8a: {  	s1 =	srdreg.scid  }
0x8b: {  	s0 =	sand.u32 $0x1, s1  }
0x8c: {  	s17 =	sshll.u32 s0, $0xA;
	s2 =	sadd.s32 s3, s2  }
0x8d: {  	s2 =	sadd.s32 s2, s17  }
0x8e: {  	[smem:$0x3FC4] =	sst s2  }
0x8f: {  	_ = 	snop  }
0x90: {  	s2 =	sld [smem:$0x3FC9];
	(tm) =	ssettm $0x1  }
0x91: {  	s18 =	sld [smem:$0x3FFB];
	_ =	sdelay $0x3  }
0x92: {  	_ =	strace s18  }
0x93: {  	s3 =	sld [smem:$0x3FFC];
	_ =	sdelay $0x3  }
0x94: {  	_ =	strace s3  }
0x95: {  	s3 =	sld [smem:$0x3FFD];
	_ =	sdelay $0x3  }
0x96: {  	_ =	strace s3  }
0x97: {  	_ =	strace $0x8FFFFFFF  }
0x98: {  	s19 =	sld [smem:$0x3FDB];
	_ =	sdelay $0x1  }
0x99: {  	s4 =	simm.s32 $_scs_section_size  }
0x9a: {  	s5 =	simm.s32 $_size__tile_overlayer_lowered;
	s6 =	simm.s32 $_tile_overlayer_lowered  }
0x9b: {  	s22 =	simm.s32 $0x1BFF;
	s21 =	sshll.u32 s6, $0x1;
	s3 =	sadd.s32 s4, s19  }
0x9c: {  	s7 =	simm.s32 $0x0;
	s20 =	sshll.u32 s5, $0x1;
	s5 =	sadd.s32 s21, s3  }
0x9d: {  	[timem:s7], [sflag:s22] =	dma.local [hbm:s5], s20  }
0x9e: {  	_ =	swait.ge [sflag:s22], s20  }
0x9f: {  	s4 =	ssub.s32 $0x0, s20;
	[sflag:s22] =	ssyncset.done $0x0  }
0xa0: {  	[sflag:s22] =	ssyncadd.s32 s4;
	_ =	sdelay $0x1  }
0xa1: {  	s23 =	simm.s32 $0x1B8B  }
0xa2: {  	_ =	swait.ge [sflag:s23], $0x1  }
0xa3: {  	[sflag:s23] =	ssyncset.done $0x0  }
0xa4: {  	s25 =	simm.s32 $0x1B8E;
	s24 =	sld [smem:$0x3FFE];
	[sflag:s23] =	ssyncadd.s32 $0xFFFFFFFF  }
0xa5: {  	s26 =	simm.s32 $execute0_lowered;
	[smem:$0x3FD2] =	sst s25  }
0xa6: {  	s5 =	sshll.u32 s26, $0x1;
	_ =	strace $0x80000046;
	[dreg:$0x1] =	wrdreg $0xFFFFFFFF  }
0xa7: {  	s28 =	simm.s32 $_size_execute0_lowered;
	s3 =	sadd.s32 s3, s5;
	[dreg:$0x0] =	wrdreg $0x0  }
0xa8: {  	s5 =	sshll.u32 s28, $0x1;
	[dreg:$0x2] =	wrdreg s3  }
0xa9: {  	[dreg:$0x3] =	wrdreg s5  }
0xaa: {  	[dreg:$0x4] =	wrdreg $0xC0  }
0xab: {  	_ =	task [dreg:s7], $0x5FFFF  }
0xac: {  	[dreg:$0x1] =	wrdreg $0xFFFFFFFF  }
0xad: {  	[dreg:$0x0] =	wrdreg $0x60  }
0xae: {  	[dreg:$0x2] =	wrdreg s24  }
0xaf: {  	[dreg:$0x3] =	wrdreg s2  }
0xb0: {  	[dreg:$0x4] =	wrdreg $0x9  }
0xb1: {  	_ =	task.clear_ibuf [dreg:s7], $0x5FFFF;
	_ =	strace $0x90000046  }
0xb2: {  	s29 =	simm.s32 $0x9;
	_ =	strace $0x80000048  }
0xb3: {  	_ =	swait.ge [sflag:s29], $0x1  }
0xb4: {  	[sflag:s29] =	ssyncadd.s32 $0xFFFFFFFF  }
0xb5: {  	_ =	strace $0x90000048  }
0xb6: {  	_ =	sfence  }
0xb7: {  	s30 =	sld [smem:$0x0];
	_ =	sdelay $0x2  }
0xb8: {  	s31 =	sshll.u32 s1, $0xD;
	s1 =	sshrl.u32 s1, $0x2  }
0xb9: {  	s3 =	sand.u32 $0x4000, s31;
	s1 =	sadd.s32 s1, s30  }
0xba: {  	s0 =	sor.u32 s3, s0;
	s1 =	sshll.u32 s1, $0x11  }
0xbb: {  	s0 =	sor.u32 s1, s0  }
0xbc: {  	s0 =	sadd.s32 $0x8F2B, s0  }
0xbd: {  	[sflag:s0] =	ssyncadd.remote.s32 $0x1  }
0xbe: {  	_ =	sfence.sel $0xFFFF  }
0xbf: {  	[dreg:$0x0] =	wrdreg $0xFFFFFFFF;
	(pc) =	sbr.abs _section_cstart, $3  }
0xc0: {  	[dreg:$0x1] =	wrdreg $0xFFFFFFFF  }
0xc1: {  	_ =	task.clear_ibuf [dreg:s7], $0x2FFFF;
	_ =	strace $0x9FFFFFFF  }
0xc2: {  	(tm) =	ssettm $0x7FFFFFFF  }
0xc3: {  	_ =	shalt  }
tec
execute0_lowered:
.L_overlay_start_1:
0x0: {  	(tag) =	ssettag $0x1  }
0x1: {  	s4 =	rddreg [dreg:$0x0]  }
0x2: {  	s5 =	rddreg [dreg:$0x1]  }
0x3: {  	s0 =	rddreg [dreg:$0x2]  }
0x4: {  	s2 =	simm.s32 $0x0;
	s3 =	srdreg.scid;
	s1 =	stileid.u32  }
0x5: {  	s10 =	simm.s32 $0x4200;
	s11 =	simm.s32 $0x1;
	s12 =	simm.s32 $0x0  }
0x6: {  	[smem:$0x7FF] =	sst s2;
	s3 =	sand.u32 $0x1, s3;
	s6 =	sshll.u32 s1, $0x1  }
0x7: {  	_ =	strace $0x80000047;
	s6 =	sor.u32 s3, s6;
	s7 =	ssub.s32 $0x2, s3  }
0x8: {  	v0 =	vlaneseq.u32;
	s3 =	sadd.s32 $0xE00, s4;
	s8 =	sshll.u32 s6, $0xB;
	s9 =	sshrl.u32 s7, $0x1  }
0x9: {  	v0 =	vmul.u32 $0x100000, v0;
	s31 =	sshll.u32 s6, $0x6;
	s8 =	sadd.s32 s8, s4;
	s7 =	ssub.s32 s7, s9  }
0xa: {  	s4 =	sadd.s32 s5, s31;
	s9 =	simm.s32 $0x200;
	s5 =	sadd.s32 $0x400E00, s8  }
0xb: {  	v1 =	vor.u32 $0x1000000, v0;
	s6 =	smax.u32 s7, $0x1;
	s7 =	simm.s32 $0x2;
	s8 =	simm.s32 $0x4000  }
.LBB2_1:
0xc: {  	[tilespmem:s2], [sflag:$0x2] =	stream.linear.gather [hbm4b:s4+s2], $0x200, $0x38;
	[tilespmem:$0x8200] =	vst v63  }
0xd: {  	_ =	swait.ge [sflag:s7], $0x200  }
0xe: {  	[sflag:s7] =	ssyncset.done $0x0  }
0xf: {  	s13 =	simm.s32 $0x0;
	[sflag:s7] =	ssyncadd.s32 $0xFFFFFE00  }
0x10: {  	v2 =	vld [tilespmem:s13+$0x0];
	_ =	sdelay $0x4  }
0x11: {  	v3 =	vbroadcast v2, $0x0;
	_ =	sdelay $0x1  }
0x12: {  	s13 =	simm.s32 $0x300;
	v4 =	vbroadcast v2, $0x1;
	v5 =	vadd.s32 v0, v3  }
0x13: {  	v37 =	vbroadcast v2, $0x2;
	v3 =	vadd.s32 v1, v3;
	[tilespmem:s13+$0xFFFFFF00] =	vst v5  }
0x14: {  	v38 =	vbroadcast v2, $0x3;
	v6 =	vadd.s32 v0, v4;
	[tilespmem:s13+$0xFFFFFF10] =	vst v3  }
0x15: {  	v41 =	vbroadcast v2, $0x4;
	v39 =	vadd.s32 v0, v37;
	[tilespmem:s13+$0xFFFFFF20] =	vst v6  }
0x16: {  	v42 =	vbroadcast v2, $0x5;
	v40 =	vadd.s32 v0, v38;
	[tilespmem:s13+$0xFFFFFF40] =	vst v39  }
0x17: {  	v44 =	vbroadcast v2, $0x6;
	v43 =	vadd.s32 v0, v41;
	[tilespmem:s13+$0xFFFFFF60] =	vst v40  }
0x18: {  	v46 =	vbroadcast v2, $0x7;
	v45 =	vadd.s32 v0, v42;
	[tilespmem:s13+$0xFFFFFF80] =	vst v43  }
0x19: {  	v49 =	vbroadcast v2, $0x8;
	v47 =	vadd.s32 v0, v44;
	[tilespmem:s13+$0xFFFFFFA0] =	vst v45  }
0x1a: {  	v50 =	vbroadcast v2, $0x9;
	v48 =	vadd.s32 v0, v46;
	[tilespmem:s13+$0xFFFFFFC0] =	vst v47  }
0x1b: {  	v52 =	vbroadcast v2, $0xA;
	v51 =	vadd.s32 v0, v49;
	[tilespmem:s13+$0xFFFFFFE0] =	vst v48  }
0x1c: {  	v54 =	vbroadcast v2, $0xB;
	v53 =	vadd.s32 v0, v50;
	[tilespmem:s13+$0x0] =	vst v51  }
0x1d: {  	v57 =	vbroadcast v2, $0xC;
	v55 =	vadd.s32 v0, v52;
	[tilespmem:s13+$0x20] =	vst v53  }
0x1e: {  	v58 =	vbroadcast v2, $0xD;
	v56 =	vadd.s32 v0, v54;
	[tilespmem:s13+$0x40] =	vst v55  }
0x1f: {  	v60 =	vbroadcast v2, $0xE;
	v59 =	vadd.s32 v0, v57;
	[tilespmem:s13+$0x60] =	vst v56  }
0x20: {  	v2 =	vbroadcast v2, $0xF;
	v61 =	vadd.s32 v0, v58;
	[tilespmem:s13+$0x80] =	vst v59  }
0x21: {  	v62 =	vadd.s32 v0, v60;
	[tilespmem:s13+$0xA0] =	vst v61  }
0x22: {  	v63 =	vadd.s32 v0, v2;
	[tilespmem:s13+$0xC0] =	vst v62  }
0x23: {  	v2 =	vadd.s32 v1, v2;
	[tilespmem:s13+$0xE0] =	vst v63  }
0x24: {  	v3 =	vadd.s32 v1, v4;
	[tilespmem:s13+$0xF0] =	vst v2  }
0x25: {  	[tilespmem:s13+$0xFFFFFF30] =	vst v3;
	v3 =	vadd.s32 v1, v37  }
0x26: {  	[tilespmem:s13+$0xFFFFFF50] =	vst v3;
	v3 =	vadd.s32 v1, v38  }
0x27: {  	[tilespmem:s13+$0xFFFFFF70] =	vst v3;
	v3 =	vadd.s32 v1, v41  }
0x28: {  	[tilespmem:s13+$0xFFFFFF90] =	vst v3;
	v3 =	vadd.s32 v1, v42  }
0x29: {  	[tilespmem:s13+$0xFFFFFFB0] =	vst v3;
	v3 =	vadd.s32 v1, v44  }
0x2a: {  	[tilespmem:s13+$0xFFFFFFD0] =	vst v3;
	v3 =	vadd.s32 v1, v46  }
0x2b: {  	[tilespmem:s13+$0xFFFFFFF0] =	vst v3;
	v3 =	vadd.s32 v1, v49  }
0x2c: {  	[tilespmem:s13+$0x10] =	vst v3;
	v3 =	vadd.s32 v1, v50  }
0x2d: {  	[tilespmem:s13+$0x30] =	vst v3;
	v3 =	vadd.s32 v1, v52  }
0x2e: {  	[tilespmem:s13+$0x50] =	vst v3;
	v3 =	vadd.s32 v1, v54  }
0x2f: {  	[tilespmem:s13+$0x70] =	vst v3;
	v3 =	vadd.s32 v1, v57  }
0x30: {  	[tilespmem:s13+$0x90] =	vst v3;
	v3 =	vadd.s32 v1, v58  }
0x31: {  	[tilespmem:s13+$0xB0] =	vst v3;
	v3 =	vadd.s32 v1, v60  }
0x32: {  	s15 =	simm.s32 $0x10;
	s14 =	simm.s32 $0x80;
	[tilespmem:s13+$0xD0] =	vst v3  }
.LBB2_2:
0x33: {  	p0 =	sne.s32 s14, $0x7C0;
	v2 =	vld [tilespmem:s15+$0x0];
	_ =	sdelay $0x4  }
0x34: {  	v3 =	vbroadcast v2, $0x0;
	v4 =	vbroadcast v2, $0x1  }
0x35: {  	v5 =	vbroadcast v2, $0x2;
	v6 =	vbroadcast v2, $0x3  }
0x36: {  	s13 =	sadd.s32 $0x200, s13;
	v7 =	vadd.s32 v0, v3;
	v3 =	vadd.s32 v1, v3;
	v8 =	vadd.s32 v0, v4  }
0x37: {  	v4 =	vadd.s32 v1, v4;
	[tilespmem:s13+$0xFFFFFF00] =	vst v7;
	v7 =	vadd.s32 v0, v5;
	v5 =	vadd.s32 v1, v5  }
0x38: {  	v9 =	vbroadcast v2, $0x4;
	[tilespmem:s13+$0xFFFFFF10] =	vst v3;
	v3 =	vadd.s32 v0, v6;
	v6 =	vadd.s32 v1, v6  }
0x39: {  	v10 =	vbroadcast v2, $0x6;
	[tilespmem:s13+$0xFFFFFF20] =	vst v8;
	v8 =	vbroadcast v2, $0x5  }
0x3a: {  	v11 =	vbroadcast v2, $0x7;
	[tilespmem:s13+$0xFFFFFF30] =	vst v4;
	v4 =	vadd.s32 v0, v9;
	v9 =	vadd.s32 v1, v9  }
0x3b: {  	v12 =	vadd.s32 v0, v10;
	[tilespmem:s13+$0xFFFFFF40] =	vst v7;
	v7 =	vadd.s32 v0, v8;
	v8 =	vadd.s32 v1, v8  }
0x3c: {  	[tilespmem:s13+$0xFFFFFF50] =	vst v5;
	v5 =	vadd.s32 v1, v10;
	v10 =	vadd.s32 v0, v11;
	v11 =	vadd.s32 v1, v11  }
0x3d: {  	v13 =	vbroadcast v2, $0x9;
	[tilespmem:s13+$0xFFFFFF60] =	vst v3;
	v3 =	vbroadcast v2, $0x8  }
0x3e: {  	v14 =	vbroadcast v2, $0xB;
	[tilespmem:s13+$0xFFFFFF70] =	vst v6;
	v6 =	vbroadcast v2, $0xA  }
0x3f: {  	v15 =	vadd.s32 v0, v13;
	[tilespmem:s13+$0xFFFFFF80] =	vst v4;
	v4 =	vadd.s32 v0, v3;
	v3 =	vadd.s32 v1, v3  }
0x40: {  	[tilespmem:s13+$0xFFFFFF90] =	vst v9;
	v9 =	vadd.s32 v1, v13;
	v13 =	vadd.s32 v0, v6;
	v6 =	vadd.s32 v1, v6  }
0x41: {  	v16 =	vbroadcast v2, $0xC;
	[tilespmem:s13+$0xFFFFFFA0] =	vst v7;
	v7 =	vadd.s32 v0, v14;
	v14 =	vadd.s32 v1, v14  }
0x42: {  	v17 =	vbroadcast v2, $0xE;
	[tilespmem:s13+$0xFFFFFFB0] =	vst v8;
	v8 =	vbroadcast v2, $0xD  }
0x43: {  	v2 =	vbroadcast v2, $0xF;
	[tilespmem:s13+$0xFFFFFFC0] =	vst v12;
	v12 =	vadd.s32 v0, v16;
	v16 =	vadd.s32 v1, v16  }
0x44: {  	v18 =	vadd.s32 v0, v17;
	[tilespmem:s13+$0xFFFFFFD0] =	vst v5;
	v5 =	vadd.s32 v0, v8;
	v8 =	vadd.s32 v1, v8  }
0x45: {  	[tilespmem:s13+$0xFFFFFFE0] =	vst v10;
	v10 =	vadd.s32 v1, v17;
	v17 =	vadd.s32 v0, v2;
	v2 =	vadd.s32 v1, v2  }
0x46: {  	[tilespmem:s13+$0xFFFFFFF0] =	vst v11  }
0x47: {  	[tilespmem:s13+$0x0] =	vst v4  }
0x48: {  	[tilespmem:s13+$0x10] =	vst v3  }
0x49: {  	[tilespmem:s13+$0x20] =	vst v15  }
0x4a: {  	[tilespmem:s13+$0x30] =	vst v9  }
0x4b: {  	[tilespmem:s13+$0x40] =	vst v13  }
0x4c: {  	[tilespmem:s13+$0x50] =	vst v6  }
0x4d: {  	[tilespmem:s13+$0x60] =	vst v7  }
0x4e: {  	[tilespmem:s13+$0x70] =	vst v14  }
0x4f: {  	[tilespmem:s13+$0x80] =	vst v12  }
0x50: {  	[tilespmem:s13+$0x90] =	vst v16  }
0x51: {  	[tilespmem:s13+$0xA0] =	vst v5  }
.Ltmp0:
0x52: {  	[tilespmem:s13+$0xB0] =	vst v8;
	(pc) =	sbr.rel @p0 .LBB2_2-.Ltmp0, $4  }
0x53: {  	[tilespmem:s13+$0xC0] =	vst v18  }
0x54: {  	[tilespmem:s13+$0xD0] =	vst v10  }
0x55: {  	[tilespmem:s13+$0xE0] =	vst v17  }
0x56: {  	s15 =	sshra.s32 s14, $0x2;
	s14 =	sadd.s32 $0x40, s14;
	[tilespmem:s13+$0xF0] =	vst v2  }
0x57: {  	v2 =	vld [tilespmem:s15+$0x0];
	_ =	sdelay $0x4  }
0x58: {  	v3 =	vbroadcast v2, $0x0;
	_ =	sdelay $0x1  }
0x59: {  	s13 =	sadd.s32 $0x200, s13;
	v4 =	vbroadcast v2, $0x1;
	v5 =	vadd.s32 v0, v3  }
0x5a: {  	v37 =	vbroadcast v2, $0x2;
	v3 =	vadd.s32 v1, v3;
	[tilespmem:s13+$0xFFFFFF00] =	vst v5  }
0x5b: {  	v38 =	vbroadcast v2, $0x3;
	v6 =	vadd.s32 v0, v4;
	[tilespmem:s13+$0xFFFFFF10] =	vst v3  }
0x5c: {  	v41 =	vbroadcast v2, $0x4;
	v39 =	vadd.s32 v0, v37;
	[tilespmem:s13+$0xFFFFFF20] =	vst v6  }
0x5d: {  	v42 =	vbroadcast v2, $0x5;
	v40 =	vadd.s32 v0, v38;
	[tilespmem:s13+$0xFFFFFF40] =	vst v39  }
0x5e: {  	v44 =	vbroadcast v2, $0x6;
	v43 =	vadd.s32 v0, v41;
	[tilespmem:s13+$0xFFFFFF60] =	vst v40  }
0x5f: {  	v46 =	vbroadcast v2, $0x7;
	v45 =	vadd.s32 v0, v42;
	[tilespmem:s13+$0xFFFFFF80] =	vst v43  }
0x60: {  	v49 =	vbroadcast v2, $0x8;
	v47 =	vadd.s32 v0, v44;
	[tilespmem:s13+$0xFFFFFFA0] =	vst v45  }
0x61: {  	v50 =	vbroadcast v2, $0x9;
	v48 =	vadd.s32 v0, v46;
	[tilespmem:s13+$0xFFFFFFC0] =	vst v47  }
0x62: {  	v52 =	vbroadcast v2, $0xA;
	v51 =	vadd.s32 v0, v49;
	[tilespmem:s13+$0xFFFFFFE0] =	vst v48  }
0x63: {  	v54 =	vbroadcast v2, $0xB;
	v53 =	vadd.s32 v0, v50;
	[tilespmem:s13+$0x0] =	vst v51  }
0x64: {  	v57 =	vbroadcast v2, $0xC;
	v55 =	vadd.s32 v0, v52;
	[tilespmem:s13+$0x20] =	vst v53  }
0x65: {  	v58 =	vbroadcast v2, $0xD;
	v56 =	vadd.s32 v0, v54;
	[tilespmem:s13+$0x40] =	vst v55  }
0x66: {  	v60 =	vbroadcast v2, $0xE;
	v59 =	vadd.s32 v0, v57;
	[tilespmem:s13+$0x60] =	vst v56  }
0x67: {  	v2 =	vbroadcast v2, $0xF;
	v61 =	vadd.s32 v0, v58;
	[tilespmem:s13+$0x80] =	vst v59  }
0x68: {  	v62 =	vadd.s32 v0, v60;
	[tilespmem:s13+$0xA0] =	vst v61  }
0x69: {  	v63 =	vadd.s32 v0, v2;
	[tilespmem:s13+$0xC0] =	vst v62  }
0x6a: {  	v2 =	vadd.s32 v1, v2;
	[tilespmem:s13+$0xE0] =	vst v63  }
0x6b: {  	v3 =	vadd.s32 v1, v4;
	[tilespmem:s13+$0xF0] =	vst v2  }
0x6c: {  	[tilespmem:s13+$0xFFFFFF30] =	vst v3;
	v3 =	vadd.s32 v1, v37  }
0x6d: {  	[tilespmem:s13+$0xFFFFFF50] =	vst v3;
	v3 =	vadd.s32 v1, v38  }
0x6e: {  	[tilespmem:s13+$0xFFFFFF70] =	vst v3;
	v3 =	vadd.s32 v1, v41  }
0x6f: {  	[tilespmem:s13+$0xFFFFFF90] =	vst v3;
	v3 =	vadd.s32 v1, v42  }
0x70: {  	[tilespmem:s13+$0xFFFFFFB0] =	vst v3;
	v3 =	vadd.s32 v1, v44  }
0x71: {  	[tilespmem:s13+$0xFFFFFFD0] =	vst v3;
	v3 =	vadd.s32 v1, v46  }
0x72: {  	[tilespmem:s13+$0xFFFFFFF0] =	vst v3;
	v3 =	vadd.s32 v1, v49  }
0x73: {  	[tilespmem:s13+$0x10] =	vst v3;
	v3 =	vadd.s32 v1, v50  }
0x74: {  	[tilespmem:s13+$0x30] =	vst v3;
	v3 =	vadd.s32 v1, v52  }
0x75: {  	[tilespmem:s13+$0x50] =	vst v3;
	v3 =	vadd.s32 v1, v54  }
0x76: {  	[tilespmem:s13+$0x70] =	vst v3;
	v3 =	vadd.s32 v1, v57  }
0x77: {  	[tilespmem:s13+$0x90] =	vst v3;
	v3 =	vadd.s32 v1, v58  }
0x78: {  	[tilespmem:s13+$0xB0] =	vst v3;
	v3 =	vadd.s32 v1, v60  }
0x79: {  	[tilespmem:s13+$0xD0] =	vst v3  }
0x7a: {  	[tilespmem:s10], [sflag:$0x1] =	stream.indirect.gather [hbm4b:s3+s8], $0x1, s9, s8, $0xb8;
	[tilespmem:$0x8200] =	vst v63  }
0x7b: {  	s12 =	sadd.s32 $0x1, s12;
	_ =	swait.ge [sflag:s11], $0x4000  }
0x7c: {  	p0 =	sne.s32 s12, s6;
	[sflag:s11] =	ssyncset.done $0x0  }
.Ltmp1:
0x7d: {  	[sflag:s11] =	ssyncadd.s32 $0xFFFFC000;
	(pc) =	sbr.rel @p0 .LBB2_1-.Ltmp1, $4  }
0x7e: {  	[hbm4b:s5+s2] =	stream.linear.scatter [tilespmem:s10], [sflag:$0x2], $0x4000, $0x38;
	[tilespmem:$0x8200] =	vst v63  }
0x7f: {  	_ =	swait.ge [sflag:s7], $0x4000  }
0x80: {  	[sflag:s7] =	ssyncset.done $0x0  }
0x81: {  	[sflag:s7] =	ssyncadd.s32 $0xFFFFC000  }
0x82: {  	_ =	sfence.sel $0x180000  }
0x83: {  	[bflag:$0x0] =	sbarrier.arrive $0xFFFF  }
0x84: {  	p0 =	sne.s32 s1, $0x0;
	_ =	strace $0x90000047  }
0x85: {  	s0 =	sadd.s32 @!p0 $0x100000, s0;
	[bflag:$0x2] =	sbarrier.arrive $0xFFFF  }
0x86: {  	[sflag:s0] =	ssyncadd.tile.s32 @!p0 $0x1;
	_ =	shalt  }
.Lfunc_end2:
_tile_overlayer_lowered:
.L_overlay_start_2:
0x87: {  	(tag) =	ssettag $0x2  }
0x88: {  	s0 =	rddreg [dreg:$0x0];
	s2 =	stileid.u32  }
0x89: {  	s1 =	rddreg [dreg:$0x1];
	p0 =	sne.s32 s2, $0x0  }
0x8a: {  	s3 =	rddreg [dreg:$0x2];
	[bflag:$0x3] =	sbarrier.arrive $0xFFFF;
	s2 =	simm.s32 @!p0 $0x1C02  }
0x8b: {  	[timem:s3], [sflag:s2] =	dma.local @!p0 [hbm:s0], s1  }
0x8c: {  	s0 =	simm.s32 @!p0 $0x2  }
0x8d: {  	_ =	swait.ge @!p0 [sflag:s0], s1  }
0x8e: {  	s1 =	ssub.s32 @!p0 $0x0, s1;
	[sflag:s0] =	ssyncset.done @!p0 $0x0  }
0x8f: {  	[sflag:s0] =	ssyncadd.s32 @!p0 s1  }
0x90: {  	[bflag:$0x3] =	sbarrier.arrive $0xFFFF  }
0x91: {  	_ =	shalt  }

</sc_bundles>
